<compile_context>
chip_gen: v7x
topology: tpu7x:2x2x1
jax: 0.10.2.dev20260603
libtpu: 0.0.44.dev20260713+nightly
codegen_flags: <defaults>
</compile_context>

<pallas_src>
import jax
import jax.numpy as jnp
from jax import lax
from jax.experimental import pallas as pl
from jax.experimental.pallas import tpu as pltpu
from jax.experimental.pallas import tpu_sc as plsc

NC = 2
NS = 16
NW = NC * NS


def _make_seg_sum(n_pad, e, f, with_cnt):
    edges_per_tile = e // NW
    assert edges_per_tile * NW == e
    chunk = 8
    for c in (128, 120, 112, 104, 96, 88, 80, 72, 64, 56, 48, 40, 32, 24, 16, 8):
        if edges_per_tile % c == 0:
            chunk = c
            break
    nchunks = edges_per_tile // chunk
    rows_main = n_pad // NS
    assert rows_main % 8 == 0 and rows_main % 128 == 0
    zrows = 128
    zreps = rows_main // zrows

    out_type = [jax.ShapeDtypeStruct((NC, n_pad, f), jnp.float32)]
    scratch = [
        pltpu.VMEM((chunk,), jnp.int32),
        pltpu.VMEM((chunk,), jnp.int32),
        pltpu.VMEM((chunk, f), jnp.float32),
        pltpu.VMEM((zrows, f), jnp.float32),
        pltpu.VMEM_SHARED((n_pad, f), jnp.float32),
        pltpu.SemaphoreType.DMA,
    ]
    if with_cnt:
        out_type.append(jax.ShapeDtypeStruct((NW, 1, n_pad), jnp.float32))
        scratch.append(pltpu.VMEM((1, n_pad), jnp.float32))

    mesh = plsc.VectorSubcoreMesh(core_axis_name="c", subcore_axis_name="s")

    def body(feat_hbm, src_hbm, dst_hbm, *refs):
        if with_cnt:
            acc_out, cnt_out, src_v, dst_v, rows_v, zbuf, acc_sh, sem, hist = refs
        else:
            acc_out, src_v, dst_v, rows_v, zbuf, acc_sh, sem = refs
        core = lax.axis_index("c")
        sub = lax.axis_index("s")
        wid = core * NS + sub

        def zinit(i, _):
            for j in range(f // 16):
                zbuf[i, pl.ds(j * 16, 16)] = jnp.zeros((16,), jnp.float32)
            return 0
        lax.fori_loop(0, zrows, zinit, 0)
        rbase = sub * rows_main
        for r in range(zreps):
            pltpu.sync_copy(zbuf, acc_sh.at[pl.ds(rbase + r * zrows, zrows)])
        if with_cnt:
            def zhist(i, _):
                hist[0, pl.ds(i * 16, 16)] = jnp.zeros((16,), jnp.float32)
                return 0
            lax.fori_loop(0, n_pad // 16, zhist, 0)
        plsc.subcore_barrier()

        ebase = wid * edges_per_tile
        zi16 = jnp.zeros((16,), jnp.int32)

        def echunk(c, _):
            base = ebase + c * chunk
            pltpu.sync_copy(src_hbm.at[pl.ds(base, chunk)], src_v)
            pltpu.sync_copy(dst_hbm.at[pl.ds(base, chunk)], dst_v)
            gat = pltpu.async_copy(feat_hbm.at[src_v], rows_v, sem)
            if with_cnt:
                for j in range(chunk // 16):
                    d16 = dst_v[pl.ds(j * 16, 16)]
                    cnts, last = plsc.scan_count(d16)
                    plsc.addupdate_scatter(
                        hist, [zi16, d16], cnts.astype(jnp.float32), mask=last)
            gat.wait()
            pltpu.sync_copy(rows_v, acc_sh.at[dst_v], add=True)
            return 0
        lax.fori_loop(0, nchunks, echunk, 0)
        plsc.subcore_barrier()

        pltpu.sync_copy(acc_sh.at[pl.ds(rbase, rows_main)],
                        acc_out.at[core, pl.ds(rbase, rows_main)])
        if with_cnt:
            pltpu.sync_copy(hist, cnt_out.at[wid])

    return pl.kernel(
        body, out_type=out_type, mesh=mesh, scratch_types=scratch,
        compiler_params=pltpu.CompilerParams(needs_layout_passes=False))


def _dot_t(a, w):
    return lax.dot_general(a, w, (((1,), (1,)), ((), ())),
                           preferred_element_type=jnp.float32,
                           precision=lax.Precision.HIGHEST)


def _mean(aggp_ref, cntp_ref):
    agg = aggp_ref[0] + aggp_ref[1]
    hists = cntp_ref[:, 0, :]
    cnt = lax.dot_general(hists, jnp.ones((NW, 1), jnp.float32),
                          (((0,), (0,)), ((), ())),
                          preferred_element_type=jnp.float32,
                          precision=lax.Precision.HIGHEST)
    return jnp.where(cnt > 0, agg / jnp.maximum(cnt, 1.0), 0.0)


def _layer0_body(aggp_ref, cntp_ref, x_ref, wl_ref, bl_ref, wr_ref, o_ref):
    h = (_dot_t(_mean(aggp_ref, cntp_ref), wl_ref[...]) + bl_ref[...]
         + _dot_t(x_ref[...], wr_ref[...]))
    o_ref[...] = jnp.maximum(h, 0.0)


def _final_body(aggp_ref, cntp_ref, h_ref, wl_ref, bl_ref, wr_ref,
                wp1_ref, bp1_ref, wp2_ref, bp2_ref, o_ref):
    h1 = (_dot_t(_mean(aggp_ref, cntp_ref), wl_ref[...]) + bl_ref[...]
          + _dot_t(h_ref[...], wr_ref[...]))
    h1 = jnp.maximum(h1, 0.0)
    z = _dot_t(h1, wp1_ref[...]) + bp1_ref[...]
    z = _dot_t(z, wp2_ref[...]) + bp2_ref[...]
    m = jnp.max(z, axis=1, keepdims=True)
    zs = z - m
    o_ref[...] = zs - jnp.log(jnp.sum(jnp.exp(zs), axis=1, keepdims=True))


def _tc_call(body, n_pad, f, o, blk, wpattern):
    grid = (n_pad // blk,)
    in_specs = [
        pl.BlockSpec((NC, blk, f), lambda i: (0, i, 0)),
        pl.BlockSpec((NW, 1, blk), lambda i: (0, 0, i)),
        pl.BlockSpec((blk, f), lambda i: (i, 0)),
    ]
    for k in wpattern:
        if k == "W":
            in_specs.append(pl.BlockSpec((f, f), lambda i: (0, 0)))
        else:
            in_specs.append(pl.BlockSpec((1, f), lambda i: (0, 0)))
    return pl.pallas_call(
        body,
        grid=grid,
        in_specs=in_specs,
        out_specs=pl.BlockSpec((blk, o), lambda i: (i, 0)),
        out_shape=jax.ShapeDtypeStruct((n_pad, o), jnp.float32),
        compiler_params=pltpu.CompilerParams(
            dimension_semantics=("parallel",)),
    )


@jax.jit
def kernel(x, edge_index, Wl0, bl0, Wr0, Wl1, bl1, Wr1, Wp1, bp1, Wp2, bp2):
    n, d = x.shape
    e = edge_index.shape[1]
    src = edge_index[0]
    dst = edge_index[1]
    blk = 1280
    n_pad = -(-n // blk) * blk
    x_pad = jnp.pad(x, ((0, n_pad - n), (0, 0)))

    aggp0, cntp = _make_seg_sum(n_pad, e, d, with_cnt=True)(x, src, dst)

    h0 = _tc_call(_layer0_body, n_pad, d, d, blk, "WbW")(
        aggp0, cntp, x_pad, Wl0, bl0.reshape(1, -1), Wr0)

    res1 = _make_seg_sum(n_pad, e, d, with_cnt=False)(h0, src, dst)
    aggp1 = res1[0] if isinstance(res1, (tuple, list)) else res1

    out = _tc_call(_final_body, n_pad, d, Wp2.shape[0], blk, "WbWWbWb")(
        aggp1, cntp, h0, Wl1, bl1.reshape(1, -1), Wr1,
        Wp1, bp1.reshape(1, -1), Wp2, bp2.reshape(1, -1))
    return out[:n]

# --- scband reference (transcript-rebuilt; emitter-appended) ---
"""Pipeline reference for scband-gnnstack-26379689132032 (READ-ONLY COPY).

The authoritative reference and input builder live on the scoring server;
editing this copy changes nothing except your own understanding.
"""

import jax, jax.numpy as jnp
import numpy as np

N = 10000
E = 320000
D = 128
H = 128
O = 128


def setup_inputs(seed: int = 0) -> dict:
    key = jax.random.key(seed)
    ks = jax.random.split(key, 12)
    x = jax.random.normal(ks[0], (N, D), dtype=jnp.float32)
    edge_index = jax.random.randint(ks[1], (2, E), 0, N, dtype=jnp.int32)
    s = 1.0 / np.sqrt(D)
    sh = 1.0 / np.sqrt(H)
    # SAGEConv layer 0: lin_l (agg, with bias), lin_r (root, no bias)
    Wl0 = jax.random.normal(ks[2], (H, D), dtype=jnp.float32) * s
    bl0 = jnp.zeros((H,), dtype=jnp.float32)
    Wr0 = jax.random.normal(ks[3], (H, D), dtype=jnp.float32) * s
    # SAGEConv layer 1
    Wl1 = jax.random.normal(ks[4], (H, H), dtype=jnp.float32) * sh
    bl1 = jnp.zeros((H,), dtype=jnp.float32)
    Wr1 = jax.random.normal(ks[5], (H, H), dtype=jnp.float32) * sh
    # post_mp: Linear(H,H) -> Linear(H,O)
    Wp1 = jax.random.normal(ks[6], (H, H), dtype=jnp.float32) * sh
    bp1 = jnp.zeros((H,), dtype=jnp.float32)
    Wp2 = jax.random.normal(ks[7], (O, H), dtype=jnp.float32) * sh
    bp2 = jnp.zeros((O,), dtype=jnp.float32)
    return {
        "x": x, "edge_index": edge_index,
        "Wl0": Wl0, "bl0": bl0, "Wr0": Wr0,
        "Wl1": Wl1, "bl1": bl1, "Wr1": Wr1,
        "Wp1": Wp1, "bp1": bp1, "Wp2": Wp2, "bp2": bp2,
    }


def _sage_conv(x, src, dst, Wl, bl, Wr, n_nodes):
    # message = x[src], mean-aggregate at dst (PyG SAGEConv, aggr='mean')
    msgs = jnp.take(x, src, axis=0)
    agg = jax.ops.segment_sum(msgs, dst, num_segments=n_nodes)
    cnt = jax.ops.segment_sum(jnp.ones((src.shape[0], 1), dtype=x.dtype), dst, num_segments=n_nodes)
    mean = jnp.where(cnt > 0, agg / jnp.maximum(cnt, 1.0), 0.0)
    # out = lin_l(mean) + lin_r(x); lin_l carries bias, lin_r has none
    return mean @ Wl.T + bl + x @ Wr.T


def reference(x, edge_index, Wl0, bl0, Wr0, Wl1, bl1, Wr1, Wp1, bp1, Wp2, bp2):
    src = edge_index[0]
    dst = edge_index[1]
    n = x.shape[0]
    h = _sage_conv(x, src, dst, Wl0, bl0, Wr0, n)
    h = jax.nn.relu(h)
    # dropout p=0.0 / eval mode -> identity
    h = _sage_conv(h, src, dst, Wl1, bl1, Wr1, n)
    h = jax.nn.relu(h)
    # post_mp: Linear -> (Dropout p=0.0) -> Linear
    h = h @ Wp1.T + bp1
    h = h @ Wp2.T + bp2
    # emb=False -> log_softmax over dim 1
    return jax.nn.log_softmax(h, axis=1)

if __name__ == "__main__":
    import jax
    _d = setup_inputs()
    print(jax.jit(kernel)(*tuple(_d.values())))

</pallas_src>

<mosaic_0001>
#map = affine_map<(d0, d1) -> (0, 0)>
#map1 = affine_map<(d0, d1) -> (0)>
#map2 = affine_map<(d0, d1) -> (0, 0, 0)>
module attributes {stable_mosaic.version = 14 : i64} {
  func.func @body(%arg0: i32, %arg1: i32, %arg2: memref<10240x128xf32, #tpu.memory_space<hbm>>, %arg3: memref<320000xi32, #tpu.memory_space<hbm>>, %arg4: memref<320000xi32, #tpu.memory_space<hbm>>, %arg5: memref<2x10240x128xf32, #tpu.memory_space<hbm>>, %arg6: memref<80xi32, #tpu.memory_space<vmem>>, %arg7: memref<80xi32, #tpu.memory_space<vmem>>, %arg8: memref<80x128xf32, #tpu.memory_space<vmem>>, %arg9: memref<128x128xf32, #tpu.memory_space<vmem>>, %arg10: memref<10240x128xf32, #tpu.memory_space<vmem_shared>>, %arg11: memref<!tpu.dma_semaphore, #tpu.memory_space<semaphore_mem>>) attributes {dimension_semantics = [#tpu.dimension_semantics<core_parallel>, #tpu.dimension_semantics<subcore_parallel>], iteration_bounds = array<i64: 2, 16>, scalar_prefetch = 0 : i64, scratch_operands = 6 : i64, tpu.core_type = #tpu.core_type<sc_vector_subcore>, window_params = [{transform_indices = #map}, {transform_indices = #map1}, {transform_indices = #map1}, {transform_indices = #map2}]} {
    %mul3A = arith.constant 16 : i32
    %mul3A_0 = arith.muli %arg0, %mul3A : i32
    %add3A = arith.addi %mul3A_0, %arg1 : i32
    %scan3A = arith.constant 0 : i32
    %scan3A_1 = arith.constant 0 : i32
    %scan3A_2 = arith.constant 128 : i32
    %scan3A_3 = arith.addi %scan3A_1, %scan3A_2 : i32
    %scan3A_4 = arith.constant 1 : i32
    %scan3A_5 = scf.for %scan3A_30 = %scan3A_1 to %scan3A_3 step %scan3A_4 iter_args(%scan3A_31 = %scan3A) -> (i32)  : i32 {
      %broadcast_in_dim3A_32 = arith.constant 0.000000e+00 : f32
      %broadcast_in_dim3A_33 = vector.broadcast %broadcast_in_dim3A_32 : f32 to vector<16xf32>
      %swap3A = arith.index_cast %scan3A_30 : i32 to index
      %swap3A_34 = arith.constant 0 : index
      %swap3A_35 = tpu.vector_load %arg9[%swap3A, %swap3A_34] {strides = array<i32>} : memref<128x128xf32, #tpu.memory_space<vmem>>, vector<16xf32>,
      tpu.vector_store %arg9[%swap3A, %swap3A_34], %broadcast_in_dim3A_33 {strides = array<i32>} : memref<128x128xf32, #tpu.memory_space<vmem>>, vector<16xf32>,
      %broadcast_in_dim3A_36 = arith.constant 0.000000e+00 : f32
      %broadcast_in_dim3A_37 = vector.broadcast %broadcast_in_dim3A_36 : f32 to vector<16xf32>
      %swap3A_38 = arith.index_cast %scan3A_30 : i32 to index
      %swap3A_39 = arith.constant 16 : index
      %swap3A_40 = tpu.vector_load %arg9[%swap3A_38, %swap3A_39] {strides = array<i32>} : memref<128x128xf32, #tpu.memory_space<vmem>>, vector<16xf32>,
      tpu.vector_store %arg9[%swap3A_38, %swap3A_39], %broadcast_in_dim3A_37 {strides = array<i32>} : memref<128x128xf32, #tpu.memory_space<vmem>>, vector<16xf32>,
      %broadcast_in_dim3A_41 = arith.constant 0.000000e+00 : f32
      %broadcast_in_dim3A_42 = vector.broadcast %broadcast_in_dim3A_41 : f32 to vector<16xf32>
      %swap3A_43 = arith.index_cast %scan3A_30 : i32 to index
      %swap3A_44 = arith.constant 32 : index
      %swap3A_45 = tpu.vector_load %arg9[%swap3A_43, %swap3A_44] {strides = array<i32>} : memref<128x128xf32, #tpu.memory_space<vmem>>, vector<16xf32>,
      tpu.vector_store %arg9[%swap3A_43, %swap3A_44], %broadcast_in_dim3A_42 {strides = array<i32>} : memref<128x128xf32, #tpu.memory_space<vmem>>, vector<16xf32>,
      %broadcast_in_dim3A_46 = arith.constant 0.000000e+00 : f32
      %broadcast_in_dim3A_47 = vector.broadcast %broadcast_in_dim3A_46 : f32 to vector<16xf32>
      %swap3A_48 = arith.index_cast %scan3A_30 : i32 to index
      %swap3A_49 = arith.constant 48 : index
      %swap3A_50 = tpu.vector_load %arg9[%swap3A_48, %swap3A_49] {strides = array<i32>} : memref<128x128xf32, #tpu.memory_space<vmem>>, vector<16xf32>,
      tpu.vector_store %arg9[%swap3A_48, %swap3A_49], %broadcast_in_dim3A_47 {strides = array<i32>} : memref<128x128xf32, #tpu.memory_space<vmem>>, vector<16xf32>,
      %broadcast_in_dim3A_51 = arith.constant 0.000000e+00 : f32
      %broadcast_in_dim3A_52 = vector.broadcast %broadcast_in_dim3A_51 : f32 to vector<16xf32>
      %swap3A_53 = arith.index_cast %scan3A_30 : i32 to index
      %swap3A_54 = arith.constant 64 : index
      %swap3A_55 = tpu.vector_load %arg9[%swap3A_53, %swap3A_54] {strides = array<i32>} : memref<128x128xf32, #tpu.memory_space<vmem>>, vector<16xf32>,
      tpu.vector_store %arg9[%swap3A_53, %swap3A_54], %broadcast_in_dim3A_52 {strides = array<i32>} : memref<128x128xf32, #tpu.memory_space<vmem>>, vector<16xf32>,
      %broadcast_in_dim3A_56 = arith.constant 0.000000e+00 : f32
      %broadcast_in_dim3A_57 = vector.broadcast %broadcast_in_dim3A_56 : f32 to vector<16xf32>
      %swap3A_58 = arith.index_cast %scan3A_30 : i32 to index
      %swap3A_59 = arith.constant 80 : index
      %swap3A_60 = tpu.vector_load %arg9[%swap3A_58, %swap3A_59] {strides = array<i32>} : memref<128x128xf32, #tpu.memory_space<vmem>>, vector<16xf32>,
      tpu.vector_store %arg9[%swap3A_58, %swap3A_59], %broadcast_in_dim3A_57 {strides = array<i32>} : memref<128x128xf32, #tpu.memory_space<vmem>>, vector<16xf32>,
      %broadcast_in_dim3A_61 = arith.constant 0.000000e+00 : f32
      %broadcast_in_dim3A_62 = vector.broadcast %broadcast_in_dim3A_61 : f32 to vector<16xf32>
      %swap3A_63 = arith.index_cast %scan3A_30 : i32 to index
      %swap3A_64 = arith.constant 96 : index
      %swap3A_65 = tpu.vector_load %arg9[%swap3A_63, %swap3A_64] {strides = array<i32>} : memref<128x128xf32, #tpu.memory_space<vmem>>, vector<16xf32>,
      tpu.vector_store %arg9[%swap3A_63, %swap3A_64], %broadcast_in_dim3A_62 {strides = array<i32>} : memref<128x128xf32, #tpu.memory_space<vmem>>, vector<16xf32>,
      %broadcast_in_dim3A_66 = arith.constant 0.000000e+00 : f32
      %broadcast_in_dim3A_67 = vector.broadcast %broadcast_in_dim3A_66 : f32 to vector<16xf32>
      %swap3A_68 = arith.index_cast %scan3A_30 : i32 to index
      %swap3A_69 = arith.constant 112 : index
      %swap3A_70 = tpu.vector_load %arg9[%swap3A_68, %swap3A_69] {strides = array<i32>} : memref<128x128xf32, #tpu.memory_space<vmem>>, vector<16xf32>,
      tpu.vector_store %arg9[%swap3A_68, %swap3A_69], %broadcast_in_dim3A_67 {strides = array<i32>} : memref<128x128xf32, #tpu.memory_space<vmem>>, vector<16xf32>,
      %scan3A_71 = arith.constant 0 : i32
      scf.yield %scan3A_71 : i32
    }
    %scan3A_6 = arith.constant 128 : i32
    %mul3A_7 = arith.constant 640 : i32
    %mul3A_8 = arith.muli %arg1, %mul3A_7 : i32
    %add3A_9 = arith.constant 0 : i32
    %add3A_10 = arith.addi %mul3A_8, %add3A_9 : i32
    "tpu.region"() ({
      %run_scoped3A = tpu.sem_alloc : memref<!tpu.dma_semaphore, #tpu.memory_space<semaphore_mem>>
      %dma_start3A = arith.constant 0 : i32
      %dma_start3A_30 = tpu.memref_slice %arg10[%add3A_10, %dma_start3A] : memref<10240x128xf32, #tpu.memory_space<vmem_shared>> -> memref<128x128xf32, #tpu.memory_space<vmem_shared>>
      %dma_start3A_31 = arith.constant 0 : i32
      %dma_start3A_32 = tpu.memref_slice %arg10[%add3A_10, %dma_start3A_31] : memref<10240x128xf32, #tpu.memory_space<vmem_shared>> -> memref<128x128xf32, #tpu.memory_space<vmem_shared>>
      tpu.enqueue_dma source(%arg9 : memref<128x128xf32, #tpu.memory_space<vmem>>) target(%dma_start3A_32 : memref<128x128xf32, #tpu.memory_space<vmem_shared>>) target_semaphore(%run_scoped3A : memref<!tpu.dma_semaphore, #tpu.memory_space<semaphore_mem>>)
      %dma_wait3A = arith.constant 0 : i32
      %dma_wait3A_33 = tpu.memref_slice %arg10[%add3A_10, %dma_wait3A] : memref<10240x128xf32, #tpu.memory_space<vmem_shared>> -> memref<128x128xf32, #tpu.memory_space<vmem_shared>>
      %dma_wait3A_34 = arith.constant 0 : i32
      %dma_wait3A_35 = tpu.memref_slice %arg10[%add3A_10, %dma_wait3A_34] : memref<10240x128xf32, #tpu.memory_space<vmem_shared>> -> memref<128x128xf32, #tpu.memory_space<vmem_shared>>
      tpu.wait_dma2 semaphore(%run_scoped3A : memref<!tpu.dma_semaphore, #tpu.memory_space<semaphore_mem>>) src(%arg9 : memref<128x128xf32, #tpu.memory_space<vmem>>) dst(%dma_wait3A_35 : memref<128x128xf32, #tpu.memory_space<vmem_shared>>)
      tpu.yield
    }) : () -> ()
    %add3A_11 = arith.constant 128 : i32
    %add3A_12 = arith.addi %mul3A_8, %add3A_11 : i32
    "tpu.region"() ({
      %run_scoped3A = tpu.sem_alloc : memref<!tpu.dma_semaphore, #tpu.memory_space<semaphore_mem>>
      %dma_start3A = arith.constant 0 : i32
      %dma_start3A_30 = tpu.memref_slice %arg10[%add3A_12, %dma_start3A] : memref<10240x128xf32, #tpu.memory_space<vmem_shared>> -> memref<128x128xf32, #tpu.memory_space<vmem_shared>>
      %dma_start3A_31 = arith.constant 0 : i32
      %dma_start3A_32 = tpu.memref_slice %arg10[%add3A_12, %dma_start3A_31] : memref<10240x128xf32, #tpu.memory_space<vmem_shared>> -> memref<128x128xf32, #tpu.memory_space<vmem_shared>>
      tpu.enqueue_dma source(%arg9 : memref<128x128xf32, #tpu.memory_space<vmem>>) target(%dma_start3A_32 : memref<128x128xf32, #tpu.memory_space<vmem_shared>>) target_semaphore(%run_scoped3A : memref<!tpu.dma_semaphore, #tpu.memory_space<semaphore_mem>>)
      %dma_wait3A = arith.constant 0 : i32
      %dma_wait3A_33 = tpu.memref_slice %arg10[%add3A_12, %dma_wait3A] : memref<10240x128xf32, #tpu.memory_space<vmem_shared>> -> memref<128x128xf32, #tpu.memory_space<vmem_shared>>
      %dma_wait3A_34 = arith.constant 0 : i32
      %dma_wait3A_35 = tpu.memref_slice %arg10[%add3A_12, %dma_wait3A_34] : memref<10240x128xf32, #tpu.memory_space<vmem_shared>> -> memref<128x128xf32, #tpu.memory_space<vmem_shared>>
      tpu.wait_dma2 semaphore(%run_scoped3A : memref<!tpu.dma_semaphore, #tpu.memory_space<semaphore_mem>>) src(%arg9 : memref<128x128xf32, #tpu.memory_space<vmem>>) dst(%dma_wait3A_35 : memref<128x128xf32, #tpu.memory_space<vmem_shared>>)
      tpu.yield
    }) : () -> ()
    %add3A_13 = arith.constant 256 : i32
    %add3A_14 = arith.addi %mul3A_8, %add3A_13 : i32
    "tpu.region"() ({
      %run_scoped3A = tpu.sem_alloc : memref<!tpu.dma_semaphore, #tpu.memory_space<semaphore_mem>>
      %dma_start3A = arith.constant 0 : i32
      %dma_start3A_30 = tpu.memref_slice %arg10[%add3A_14, %dma_start3A] : memref<10240x128xf32, #tpu.memory_space<vmem_shared>> -> memref<128x128xf32, #tpu.memory_space<vmem_shared>>
      %dma_start3A_31 = arith.constant 0 : i32
      %dma_start3A_32 = tpu.memref_slice %arg10[%add3A_14, %dma_start3A_31] : memref<10240x128xf32, #tpu.memory_space<vmem_shared>> -> memref<128x128xf32, #tpu.memory_space<vmem_shared>>
      tpu.enqueue_dma source(%arg9 : memref<128x128xf32, #tpu.memory_space<vmem>>) target(%dma_start3A_32 : memref<128x128xf32, #tpu.memory_space<vmem_shared>>) target_semaphore(%run_scoped3A : memref<!tpu.dma_semaphore, #tpu.memory_space<semaphore_mem>>)
      %dma_wait3A = arith.constant 0 : i32
      %dma_wait3A_33 = tpu.memref_slice %arg10[%add3A_14, %dma_wait3A] : memref<10240x128xf32, #tpu.memory_space<vmem_shared>> -> memref<128x128xf32, #tpu.memory_space<vmem_shared>>
      %dma_wait3A_34 = arith.constant 0 : i32
      %dma_wait3A_35 = tpu.memref_slice %arg10[%add3A_14, %dma_wait3A_34] : memref<10240x128xf32, #tpu.memory_space<vmem_shared>> -> memref<128x128xf32, #tpu.memory_space<vmem_shared>>
      tpu.wait_dma2 semaphore(%run_scoped3A : memref<!tpu.dma_semaphore, #tpu.memory_space<semaphore_mem>>) src(%arg9 : memref<128x128xf32, #tpu.memory_space<vmem>>) dst(%dma_wait3A_35 : memref<128x128xf32, #tpu.memory_space<vmem_shared>>)
      tpu.yield
    }) : () -> ()
    %add3A_15 = arith.constant 384 : i32
    %add3A_16 = arith.addi %mul3A_8, %add3A_15 : i32
    "tpu.region"() ({
      %run_scoped3A = tpu.sem_alloc : memref<!tpu.dma_semaphore, #tpu.memory_space<semaphore_mem>>
      %dma_start3A = arith.constant 0 : i32
      %dma_start3A_30 = tpu.memref_slice %arg10[%add3A_16, %dma_start3A] : memref<10240x128xf32, #tpu.memory_space<vmem_shared>> -> memref<128x128xf32, #tpu.memory_space<vmem_shared>>
      %dma_start3A_31 = arith.constant 0 : i32
      %dma_start3A_32 = tpu.memref_slice %arg10[%add3A_16, %dma_start3A_31] : memref<10240x128xf32, #tpu.memory_space<vmem_shared>> -> memref<128x128xf32, #tpu.memory_space<vmem_shared>>
      tpu.enqueue_dma source(%arg9 : memref<128x128xf32, #tpu.memory_space<vmem>>) target(%dma_start3A_32 : memref<128x128xf32, #tpu.memory_space<vmem_shared>>) target_semaphore(%run_scoped3A : memref<!tpu.dma_semaphore, #tpu.memory_space<semaphore_mem>>)
      %dma_wait3A = arith.constant 0 : i32
      %dma_wait3A_33 = tpu.memref_slice %arg10[%add3A_16, %dma_wait3A] : memref<10240x128xf32, #tpu.memory_space<vmem_shared>> -> memref<128x128xf32, #tpu.memory_space<vmem_shared>>
      %dma_wait3A_34 = arith.constant 0 : i32
      %dma_wait3A_35 = tpu.memref_slice %arg10[%add3A_16, %dma_wait3A_34] : memref<10240x128xf32, #tpu.memory_space<vmem_shared>> -> memref<128x128xf32, #tpu.memory_space<vmem_shared>>
      tpu.wait_dma2 semaphore(%run_scoped3A : memref<!tpu.dma_semaphore, #tpu.memory_space<semaphore_mem>>) src(%arg9 : memref<128x128xf32, #tpu.memory_space<vmem>>) dst(%dma_wait3A_35 : memref<128x128xf32, #tpu.memory_space<vmem_shared>>)
      tpu.yield
    }) : () -> ()
    %add3A_17 = arith.constant 512 : i32
    %add3A_18 = arith.addi %mul3A_8, %add3A_17 : i32
    "tpu.region"() ({
      %run_scoped3A = tpu.sem_alloc : memref<!tpu.dma_semaphore, #tpu.memory_space<semaphore_mem>>
      %dma_start3A = arith.constant 0 : i32
      %dma_start3A_30 = tpu.memref_slice %arg10[%add3A_18, %dma_start3A] : memref<10240x128xf32, #tpu.memory_space<vmem_shared>> -> memref<128x128xf32, #tpu.memory_space<vmem_shared>>
      %dma_start3A_31 = arith.constant 0 : i32
      %dma_start3A_32 = tpu.memref_slice %arg10[%add3A_18, %dma_start3A_31] : memref<10240x128xf32, #tpu.memory_space<vmem_shared>> -> memref<128x128xf32, #tpu.memory_space<vmem_shared>>
      tpu.enqueue_dma source(%arg9 : memref<128x128xf32, #tpu.memory_space<vmem>>) target(%dma_start3A_32 : memref<128x128xf32, #tpu.memory_space<vmem_shared>>) target_semaphore(%run_scoped3A : memref<!tpu.dma_semaphore, #tpu.memory_space<semaphore_mem>>)
      %dma_wait3A = arith.constant 0 : i32
      %dma_wait3A_33 = tpu.memref_slice %arg10[%add3A_18, %dma_wait3A] : memref<10240x128xf32, #tpu.memory_space<vmem_shared>> -> memref<128x128xf32, #tpu.memory_space<vmem_shared>>
      %dma_wait3A_34 = arith.constant 0 : i32
      %dma_wait3A_35 = tpu.memref_slice %arg10[%add3A_18, %dma_wait3A_34] : memref<10240x128xf32, #tpu.memory_space<vmem_shared>> -> memref<128x128xf32, #tpu.memory_space<vmem_shared>>
      tpu.wait_dma2 semaphore(%run_scoped3A : memref<!tpu.dma_semaphore, #tpu.memory_space<semaphore_mem>>) src(%arg9 : memref<128x128xf32, #tpu.memory_space<vmem>>) dst(%dma_wait3A_35 : memref<128x128xf32, #tpu.memory_space<vmem_shared>>)
      tpu.yield
    }) : () -> ()
    %barrier3A = arith.constant 0 : index
    tpu.barrier barrier_id(%barrier3A)
    %mul3A_19 = arith.constant 10000 : i32
    %mul3A_20 = arith.muli %add3A, %mul3A_19 : i32
    %broadcast_in_dim3A = arith.constant 0 : i32
    %broadcast_in_dim3A_21 = vector.broadcast %broadcast_in_dim3A : i32 to vector<16xi32>
    %scan3A_22 = arith.constant 0 : i32
    %scan3A_23 = arith.constant 0 : i32
    %scan3A_24 = arith.constant 125 : i32
    %scan3A_25 = arith.addi %scan3A_23, %scan3A_24 : i32
    %scan3A_26 = arith.constant 1 : i32
    %scan3A_27 = scf.for %scan3A_30 = %scan3A_23 to %scan3A_25 step %scan3A_26 iter_args(%scan3A_31 = %scan3A_22) -> (i32)  : i32 {
      %mul3A_32 = arith.constant 80 : i32
      %mul3A_33 = arith.muli %scan3A_30, %mul3A_32 : i32
      %add3A_34 = arith.addi %mul3A_20, %mul3A_33 : i32
      "tpu.region"() ({
        %run_scoped3A = tpu.sem_alloc : memref<!tpu.dma_semaphore, #tpu.memory_space<semaphore_mem>>
        %dma_start3A_40 = tpu.memref_slice %arg3[%add3A_34] : memref<320000xi32, #tpu.memory_space<hbm>> -> memref<80xi32, #tpu.memory_space<hbm>>
        %dma_start3A_41 = tpu.memref_slice %arg3[%add3A_34] : memref<320000xi32, #tpu.memory_space<hbm>> -> memref<80xi32, #tpu.memory_space<hbm>>
        tpu.enqueue_dma source(%dma_start3A_41 : memref<80xi32, #tpu.memory_space<hbm>>) target(%arg6 : memref<80xi32, #tpu.memory_space<vmem>>) target_semaphore(%run_scoped3A : memref<!tpu.dma_semaphore, #tpu.memory_space<semaphore_mem>>)
        %dma_wait3A_42 = tpu.memref_slice %arg3[%add3A_34] : memref<320000xi32, #tpu.memory_space<hbm>> -> memref<80xi32, #tpu.memory_space<hbm>>
        %dma_wait3A_43 = tpu.memref_slice %arg3[%add3A_34] : memref<320000xi32, #tpu.memory_space<hbm>> -> memref<80xi32, #tpu.memory_space<hbm>>
        tpu.wait_dma2 semaphore(%run_scoped3A : memref<!tpu.dma_semaphore, #tpu.memory_space<semaphore_mem>>) src(%dma_wait3A_43 : memref<80xi32, #tpu.memory_space<hbm>>) dst(%arg6 : memref<80xi32, #tpu.memory_space<vmem>>)
        tpu.yield
      }) : () -> ()
      "tpu.region"() ({
        %run_scoped3A = tpu.sem_alloc : memref<!tpu.dma_semaphore, #tpu.memory_space<semaphore_mem>>
        %dma_start3A_40 = tpu.memref_slice %arg4[%add3A_34] : memref<320000xi32, #tpu.memory_space<hbm>> -> memref<80xi32, #tpu.memory_space<hbm>>
        %dma_start3A_41 = tpu.memref_slice %arg4[%add3A_34] : memref<320000xi32, #tpu.memory_space<hbm>> -> memref<80xi32, #tpu.memory_space<hbm>>
        tpu.enqueue_dma source(%dma_start3A_41 : memref<80xi32, #tpu.memory_space<hbm>>) target(%arg7 : memref<80xi32, #tpu.memory_space<vmem>>) target_semaphore(%run_scoped3A : memref<!tpu.dma_semaphore, #tpu.memory_space<semaphore_mem>>)
        %dma_wait3A_42 = tpu.memref_slice %arg4[%add3A_34] : memref<320000xi32, #tpu.memory_space<hbm>> -> memref<80xi32, #tpu.memory_space<hbm>>
        %dma_wait3A_43 = tpu.memref_slice %arg4[%add3A_34] : memref<320000xi32, #tpu.memory_space<hbm>> -> memref<80xi32, #tpu.memory_space<hbm>>
        tpu.wait_dma2 semaphore(%run_scoped3A : memref<!tpu.dma_semaphore, #tpu.memory_space<semaphore_mem>>) src(%dma_wait3A_43 : memref<80xi32, #tpu.memory_space<hbm>>) dst(%arg7 : memref<80xi32, #tpu.memory_space<vmem>>)
        tpu.yield
      }) : () -> ()
      %dma_start3A = arith.constant 0 : i32
      %dma_start3A_35 = arith.constant 0 : i32
      %dma_start3A_36 = tpu.memref_slice %arg2[%dma_start3A, %dma_start3A_35] : memref<10240x128xf32, #tpu.memory_space<hbm>> -> memref<10240x128xf32, #tpu.memory_space<hbm>>
      tpu.enqueue_indirect_dma source(%dma_start3A_36 : memref<10240x128xf32, #tpu.memory_space<hbm>>) target(%arg8 : memref<80x128xf32, #tpu.memory_space<vmem>>) offsets(%arg6 : memref<80xi32, #tpu.memory_space<vmem>>) semaphore(%arg11 : memref<!tpu.dma_semaphore, #tpu.memory_space<semaphore_mem>>)
      %dma_wait3A = arith.constant 0 : i32
      %dma_wait3A_37 = arith.constant 0 : i32
      %dma_wait3A_38 = tpu.memref_slice %arg2[%dma_wait3A, %dma_wait3A_37] : memref<10240x128xf32, #tpu.memory_space<hbm>> -> memref<10240x128xf32, #tpu.memory_space<hbm>>
      tpu.wait_indirect_dma semaphore(%arg11 : memref<!tpu.dma_semaphore, #tpu.memory_space<semaphore_mem>>) src(%dma_wait3A_38 : memref<10240x128xf32, #tpu.memory_space<hbm>>) dst(%arg8 : memref<80x128xf32, #tpu.memory_space<vmem>>)
      "tpu.region"() ({
        %run_scoped3A = tpu.sem_alloc : memref<!tpu.dma_semaphore, #tpu.memory_space<semaphore_mem>>
        %dma_start3A_40 = arith.constant 0 : i32
        %dma_start3A_41 = arith.constant 0 : i32
        %dma_start3A_42 = tpu.memref_slice %arg10[%dma_start3A_40, %dma_start3A_41] : memref<10240x128xf32, #tpu.memory_space<vmem_shared>> -> memref<10240x128xf32, #tpu.memory_space<vmem_shared>>
        tpu.enqueue_indirect_dma source(%arg8 : memref<80x128xf32, #tpu.memory_space<vmem>>) target(%dma_start3A_42 : memref<10240x128xf32, #tpu.memory_space<vmem_shared>>) offsets(%arg7 : memref<80xi32, #tpu.memory_space<vmem>>) semaphore(%run_scoped3A : memref<!tpu.dma_semaphore, #tpu.memory_space<semaphore_mem>>) {add = true}
        %dma_wait3A_43 = arith.constant 0 : i32
        %dma_wait3A_44 = arith.constant 0 : i32
        %dma_wait3A_45 = tpu.memref_slice %arg10[%dma_wait3A_43, %dma_wait3A_44] : memref<10240x128xf32, #tpu.memory_space<vmem_shared>> -> memref<10240x128xf32, #tpu.memory_space<vmem_shared>>
        tpu.wait_indirect_dma semaphore(%run_scoped3A : memref<!tpu.dma_semaphore, #tpu.memory_space<semaphore_mem>>) src(%arg8 : memref<80x128xf32, #tpu.memory_space<vmem>>) dst(%dma_wait3A_45 : memref<10240x128xf32, #tpu.memory_space<vmem_shared>>)
        tpu.yield
      }) : () -> ()
      %scan3A_39 = arith.constant 0 : i32
      scf.yield %scan3A_39 : i32
    }
    %scan3A_28 = arith.constant 125 : i32
    %barrier3A_29 = arith.constant 0 : index
    tpu.barrier barrier_id(%barrier3A_29)
    "tpu.region"() ({
      %run_scoped3A = tpu.sem_alloc : memref<!tpu.dma_semaphore, #tpu.memory_space<semaphore_mem>>
      %dma_start3A = arith.constant 0 : i32
      %dma_start3A_30 = tpu.memref_slice %arg5[%arg0, %mul3A_8, %dma_start3A] : memref<2x10240x128xf32, #tpu.memory_space<hbm>> -> memref<1x640x128xf32, #tpu.memory_space<hbm>>
      %dma_start3A_31 = tpu.memref_squeeze %dma_start3A_30 : memref<1x640x128xf32, #tpu.memory_space<hbm>> -> memref<640x128xf32, #tpu.memory_space<hbm>>
      %dma_start3A_32 = arith.constant 0 : i32
      %dma_start3A_33 = tpu.memref_slice %arg10[%mul3A_8, %dma_start3A_32] : memref<10240x128xf32, #tpu.memory_space<vmem_shared>> -> memref<640x128xf32, #tpu.memory_space<vmem_shared>>
      tpu.enqueue_dma source(%dma_start3A_33 : memref<640x128xf32, #tpu.memory_space<vmem_shared>>) target(%dma_start3A_31 : memref<640x128xf32, #tpu.memory_space<hbm>>) target_semaphore(%run_scoped3A : memref<!tpu.dma_semaphore, #tpu.memory_space<semaphore_mem>>)
      %dma_wait3A = arith.constant 0 : i32
      %dma_wait3A_34 = tpu.memref_slice %arg5[%arg0, %mul3A_8, %dma_wait3A] : memref<2x10240x128xf32, #tpu.memory_space<hbm>> -> memref<1x640x128xf32, #tpu.memory_space<hbm>>
      %dma_wait3A_35 = tpu.memref_squeeze %dma_wait3A_34 : memref<1x640x128xf32, #tpu.memory_space<hbm>> -> memref<640x128xf32, #tpu.memory_space<hbm>>
      %dma_wait3A_36 = arith.constant 0 : i32
      %dma_wait3A_37 = tpu.memref_slice %arg10[%mul3A_8, %dma_wait3A_36] : memref<10240x128xf32, #tpu.memory_space<vmem_shared>> -> memref<640x128xf32, #tpu.memory_space<vmem_shared>>
      tpu.wait_dma2 semaphore(%run_scoped3A : memref<!tpu.dma_semaphore, #tpu.memory_space<semaphore_mem>>) src(%dma_wait3A_37 : memref<640x128xf32, #tpu.memory_space<vmem_shared>>) dst(%dma_wait3A_35 : memref<640x128xf32, #tpu.memory_space<hbm>>)
      tpu.yield
    }) : () -> ()
    return
  }
}

#map = affine_map<(d0, d1) -> (0, 0)>
#map1 = affine_map<(d0, d1) -> (0)>
#map2 = affine_map<(d0, d1) -> (0, 0, 0)>
module attributes {stable_mosaic.version = 14 : i64} {
  func.func @body(%arg0: i32, %arg1: i32, %arg2: memref<10000x128xf32, #tpu.memory_space<hbm>>, %arg3: memref<320000xi32, #tpu.memory_space<hbm>>, %arg4: memref<320000xi32, #tpu.memory_space<hbm>>, %arg5: memref<2x10240x128xf32, #tpu.memory_space<hbm>>, %arg6: memref<32x1x10240xf32, #tpu.memory_space<hbm>>, %arg7: memref<80xi32, #tpu.memory_space<vmem>>, %arg8: memref<80xi32, #tpu.memory_space<vmem>>, %arg9: memref<80x128xf32, #tpu.memory_space<vmem>>, %arg10: memref<128x128xf32, #tpu.memory_space<vmem>>, %arg11: memref<10240x128xf32, #tpu.memory_space<vmem_shared>>, %arg12: memref<!tpu.dma_semaphore, #tpu.memory_space<semaphore_mem>>, %arg13: memref<1x10240xf32, #tpu.memory_space<vmem>>) attributes {dimension_semantics = [#tpu.dimension_semantics<core_parallel>, #tpu.dimension_semantics<subcore_parallel>], iteration_bounds = array<i64: 2, 16>, scalar_prefetch = 0 : i64, scratch_operands = 7 : i64, tpu.core_type = #tpu.core_type<sc_vector_subcore>, window_params = [{transform_indices = #map}, {transform_indices = #map1}, {transform_indices = #map1}, {transform_indices = #map2}, {transform_indices = #map2}]} {
    %mul3A = arith.constant 16 : i32
    %mul3A_0 = arith.muli %arg0, %mul3A : i32
    %add3A = arith.addi %mul3A_0, %arg1 : i32
    %scan3A = arith.constant 0 : i32
    %scan3A_1 = arith.constant 0 : i32
    %scan3A_2 = arith.constant 128 : i32
    %scan3A_3 = arith.addi %scan3A_1, %scan3A_2 : i32
    %scan3A_4 = arith.constant 1 : i32
    %scan3A_5 = scf.for %scan3A_37 = %scan3A_1 to %scan3A_3 step %scan3A_4 iter_args(%scan3A_38 = %scan3A) -> (i32)  : i32 {
      %broadcast_in_dim3A_39 = arith.constant 0.000000e+00 : f32
      %broadcast_in_dim3A_40 = vector.broadcast %broadcast_in_dim3A_39 : f32 to vector<16xf32>
      %swap3A = arith.index_cast %scan3A_37 : i32 to index
      %swap3A_41 = arith.constant 0 : index
      %swap3A_42 = tpu.vector_load %arg10[%swap3A, %swap3A_41] {strides = array<i32>} : memref<128x128xf32, #tpu.memory_space<vmem>>, vector<16xf32>,
      tpu.vector_store %arg10[%swap3A, %swap3A_41], %broadcast_in_dim3A_40 {strides = array<i32>} : memref<128x128xf32, #tpu.memory_space<vmem>>, vector<16xf32>,
      %broadcast_in_dim3A_43 = arith.constant 0.000000e+00 : f32
      %broadcast_in_dim3A_44 = vector.broadcast %broadcast_in_dim3A_43 : f32 to vector<16xf32>
      %swap3A_45 = arith.index_cast %scan3A_37 : i32 to index
      %swap3A_46 = arith.constant 16 : index
      %swap3A_47 = tpu.vector_load %arg10[%swap3A_45, %swap3A_46] {strides = array<i32>} : memref<128x128xf32, #tpu.memory_space<vmem>>, vector<16xf32>,
      tpu.vector_store %arg10[%swap3A_45, %swap3A_46], %broadcast_in_dim3A_44 {strides = array<i32>} : memref<128x128xf32, #tpu.memory_space<vmem>>, vector<16xf32>,
      %broadcast_in_dim3A_48 = arith.constant 0.000000e+00 : f32
      %broadcast_in_dim3A_49 = vector.broadcast %broadcast_in_dim3A_48 : f32 to vector<16xf32>
      %swap3A_50 = arith.index_cast %scan3A_37 : i32 to index
      %swap3A_51 = arith.constant 32 : index
      %swap3A_52 = tpu.vector_load %arg10[%swap3A_50, %swap3A_51] {strides = array<i32>} : memref<128x128xf32, #tpu.memory_space<vmem>>, vector<16xf32>,
      tpu.vector_store %arg10[%swap3A_50, %swap3A_51], %broadcast_in_dim3A_49 {strides = array<i32>} : memref<128x128xf32, #tpu.memory_space<vmem>>, vector<16xf32>,
      %broadcast_in_dim3A_53 = arith.constant 0.000000e+00 : f32
      %broadcast_in_dim3A_54 = vector.broadcast %broadcast_in_dim3A_53 : f32 to vector<16xf32>
      %swap3A_55 = arith.index_cast %scan3A_37 : i32 to index
      %swap3A_56 = arith.constant 48 : index
      %swap3A_57 = tpu.vector_load %arg10[%swap3A_55, %swap3A_56] {strides = array<i32>} : memref<128x128xf32, #tpu.memory_space<vmem>>, vector<16xf32>,
      tpu.vector_store %arg10[%swap3A_55, %swap3A_56], %broadcast_in_dim3A_54 {strides = array<i32>} : memref<128x128xf32, #tpu.memory_space<vmem>>, vector<16xf32>,
      %broadcast_in_dim3A_58 = arith.constant 0.000000e+00 : f32
      %broadcast_in_dim3A_59 = vector.broadcast %broadcast_in_dim3A_58 : f32 to vector<16xf32>
      %swap3A_60 = arith.index_cast %scan3A_37 : i32 to index
      %swap3A_61 = arith.constant 64 : index
      %swap3A_62 = tpu.vector_load %arg10[%swap3A_60, %swap3A_61] {strides = array<i32>} : memref<128x128xf32, #tpu.memory_space<vmem>>, vector<16xf32>,
      tpu.vector_store %arg10[%swap3A_60, %swap3A_61], %broadcast_in_dim3A_59 {strides = array<i32>} : memref<128x128xf32, #tpu.memory_space<vmem>>, vector<16xf32>,
      %broadcast_in_dim3A_63 = arith.constant 0.000000e+00 : f32
      %broadcast_in_dim3A_64 = vector.broadcast %broadcast_in_dim3A_63 : f32 to vector<16xf32>
      %swap3A_65 = arith.index_cast %scan3A_37 : i32 to index
      %swap3A_66 = arith.constant 80 : index
      %swap3A_67 = tpu.vector_load %arg10[%swap3A_65, %swap3A_66] {strides = array<i32>} : memref<128x128xf32, #tpu.memory_space<vmem>>, vector<16xf32>,
      tpu.vector_store %arg10[%swap3A_65, %swap3A_66], %broadcast_in_dim3A_64 {strides = array<i32>} : memref<128x128xf32, #tpu.memory_space<vmem>>, vector<16xf32>,
      %broadcast_in_dim3A_68 = arith.constant 0.000000e+00 : f32
      %broadcast_in_dim3A_69 = vector.broadcast %broadcast_in_dim3A_68 : f32 to vector<16xf32>
      %swap3A_70 = arith.index_cast %scan3A_37 : i32 to index
      %swap3A_71 = arith.constant 96 : index
      %swap3A_72 = tpu.vector_load %arg10[%swap3A_70, %swap3A_71] {strides = array<i32>} : memref<128x128xf32, #tpu.memory_space<vmem>>, vector<16xf32>,
      tpu.vector_store %arg10[%swap3A_70, %swap3A_71], %broadcast_in_dim3A_69 {strides = array<i32>} : memref<128x128xf32, #tpu.memory_space<vmem>>, vector<16xf32>,
      %broadcast_in_dim3A_73 = arith.constant 0.000000e+00 : f32
      %broadcast_in_dim3A_74 = vector.broadcast %broadcast_in_dim3A_73 : f32 to vector<16xf32>
      %swap3A_75 = arith.index_cast %scan3A_37 : i32 to index
      %swap3A_76 = arith.constant 112 : index
      %swap3A_77 = tpu.vector_load %arg10[%swap3A_75, %swap3A_76] {strides = array<i32>} : memref<128x128xf32, #tpu.memory_space<vmem>>, vector<16xf32>,
      tpu.vector_store %arg10[%swap3A_75, %swap3A_76], %broadcast_in_dim3A_74 {strides = array<i32>} : memref<128x128xf32, #tpu.memory_space<vmem>>, vector<16xf32>,
      %scan3A_78 = arith.constant 0 : i32
      scf.yield %scan3A_78 : i32
    }
    %scan3A_6 = arith.constant 128 : i32
    %mul3A_7 = arith.constant 640 : i32
    %mul3A_8 = arith.muli %arg1, %mul3A_7 : i32
    %add3A_9 = arith.constant 0 : i32
    %add3A_10 = arith.addi %mul3A_8, %add3A_9 : i32
    "tpu.region"() ({
      %run_scoped3A = tpu.sem_alloc : memref<!tpu.dma_semaphore, #tpu.memory_space<semaphore_mem>>
      %dma_start3A = arith.constant 0 : i32
      %dma_start3A_37 = tpu.memref_slice %arg11[%add3A_10, %dma_start3A] : memref<10240x128xf32, #tpu.memory_space<vmem_shared>> -> memref<128x128xf32, #tpu.memory_space<vmem_shared>>
      %dma_start3A_38 = arith.constant 0 : i32
      %dma_start3A_39 = tpu.memref_slice %arg11[%add3A_10, %dma_start3A_38] : memref<10240x128xf32, #tpu.memory_space<vmem_shared>> -> memref<128x128xf32, #tpu.memory_space<vmem_shared>>
      tpu.enqueue_dma source(%arg10 : memref<128x128xf32, #tpu.memory_space<vmem>>) target(%dma_start3A_39 : memref<128x128xf32, #tpu.memory_space<vmem_shared>>) target_semaphore(%run_scoped3A : memref<!tpu.dma_semaphore, #tpu.memory_space<semaphore_mem>>)
      %dma_wait3A = arith.constant 0 : i32
      %dma_wait3A_40 = tpu.memref_slice %arg11[%add3A_10, %dma_wait3A] : memref<10240x128xf32, #tpu.memory_space<vmem_shared>> -> memref<128x128xf32, #tpu.memory_space<vmem_shared>>
      %dma_wait3A_41 = arith.constant 0 : i32
      %dma_wait3A_42 = tpu.memref_slice %arg11[%add3A_10, %dma_wait3A_41] : memref<10240x128xf32, #tpu.memory_space<vmem_shared>> -> memref<128x128xf32, #tpu.memory_space<vmem_shared>>
      tpu.wait_dma2 semaphore(%run_scoped3A : memref<!tpu.dma_semaphore, #tpu.memory_space<semaphore_mem>>) src(%arg10 : memref<128x128xf32, #tpu.memory_space<vmem>>) dst(%dma_wait3A_42 : memref<128x128xf32, #tpu.memory_space<vmem_shared>>)
      tpu.yield
    }) : () -> ()
    %add3A_11 = arith.constant 128 : i32
    %add3A_12 = arith.addi %mul3A_8, %add3A_11 : i32
    "tpu.region"() ({
      %run_scoped3A = tpu.sem_alloc : memref<!tpu.dma_semaphore, #tpu.memory_space<semaphore_mem>>
      %dma_start3A = arith.constant 0 : i32
      %dma_start3A_37 = tpu.memref_slice %arg11[%add3A_12, %dma_start3A] : memref<10240x128xf32, #tpu.memory_space<vmem_shared>> -> memref<128x128xf32, #tpu.memory_space<vmem_shared>>
      %dma_start3A_38 = arith.constant 0 : i32
      %dma_start3A_39 = tpu.memref_slice %arg11[%add3A_12, %dma_start3A_38] : memref<10240x128xf32, #tpu.memory_space<vmem_shared>> -> memref<128x128xf32, #tpu.memory_space<vmem_shared>>
      tpu.enqueue_dma source(%arg10 : memref<128x128xf32, #tpu.memory_space<vmem>>) target(%dma_start3A_39 : memref<128x128xf32, #tpu.memory_space<vmem_shared>>) target_semaphore(%run_scoped3A : memref<!tpu.dma_semaphore, #tpu.memory_space<semaphore_mem>>)
      %dma_wait3A = arith.constant 0 : i32
      %dma_wait3A_40 = tpu.memref_slice %arg11[%add3A_12, %dma_wait3A] : memref<10240x128xf32, #tpu.memory_space<vmem_shared>> -> memref<128x128xf32, #tpu.memory_space<vmem_shared>>
      %dma_wait3A_41 = arith.constant 0 : i32
      %dma_wait3A_42 = tpu.memref_slice %arg11[%add3A_12, %dma_wait3A_41] : memref<10240x128xf32, #tpu.memory_space<vmem_shared>> -> memref<128x128xf32, #tpu.memory_space<vmem_shared>>
      tpu.wait_dma2 semaphore(%run_scoped3A : memref<!tpu.dma_semaphore, #tpu.memory_space<semaphore_mem>>) src(%arg10 : memref<128x128xf32, #tpu.memory_space<vmem>>) dst(%dma_wait3A_42 : memref<128x128xf32, #tpu.memory_space<vmem_shared>>)
      tpu.yield
    }) : () -> ()
    %add3A_13 = arith.constant 256 : i32
    %add3A_14 = arith.addi %mul3A_8, %add3A_13 : i32
    "tpu.region"() ({
      %run_scoped3A = tpu.sem_alloc : memref<!tpu.dma_semaphore, #tpu.memory_space<semaphore_mem>>
      %dma_start3A = arith.constant 0 : i32
      %dma_start3A_37 = tpu.memref_slice %arg11[%add3A_14, %dma_start3A] : memref<10240x128xf32, #tpu.memory_space<vmem_shared>> -> memref<128x128xf32, #tpu.memory_space<vmem_shared>>
      %dma_start3A_38 = arith.constant 0 : i32
      %dma_start3A_39 = tpu.memref_slice %arg11[%add3A_14, %dma_start3A_38] : memref<10240x128xf32, #tpu.memory_space<vmem_shared>> -> memref<128x128xf32, #tpu.memory_space<vmem_shared>>
      tpu.enqueue_dma source(%arg10 : memref<128x128xf32, #tpu.memory_space<vmem>>) target(%dma_start3A_39 : memref<128x128xf32, #tpu.memory_space<vmem_shared>>) target_semaphore(%run_scoped3A : memref<!tpu.dma_semaphore, #tpu.memory_space<semaphore_mem>>)
      %dma_wait3A = arith.constant 0 : i32
      %dma_wait3A_40 = tpu.memref_slice %arg11[%add3A_14, %dma_wait3A] : memref<10240x128xf32, #tpu.memory_space<vmem_shared>> -> memref<128x128xf32, #tpu.memory_space<vmem_shared>>
      %dma_wait3A_41 = arith.constant 0 : i32
      %dma_wait3A_42 = tpu.memref_slice %arg11[%add3A_14, %dma_wait3A_41] : memref<10240x128xf32, #tpu.memory_space<vmem_shared>> -> memref<128x128xf32, #tpu.memory_space<vmem_shared>>
      tpu.wait_dma2 semaphore(%run_scoped3A : memref<!tpu.dma_semaphore, #tpu.memory_space<semaphore_mem>>) src(%arg10 : memref<128x128xf32, #tpu.memory_space<vmem>>) dst(%dma_wait3A_42 : memref<128x128xf32, #tpu.memory_space<vmem_shared>>)
      tpu.yield
    }) : () -> ()
    %add3A_15 = arith.constant 384 : i32
    %add3A_16 = arith.addi %mul3A_8, %add3A_15 : i32
    "tpu.region"() ({
      %run_scoped3A = tpu.sem_alloc : memref<!tpu.dma_semaphore, #tpu.memory_space<semaphore_mem>>
      %dma_start3A = arith.constant 0 : i32
      %dma_start3A_37 = tpu.memref_slice %arg11[%add3A_16, %dma_start3A] : memref<10240x128xf32, #tpu.memory_space<vmem_shared>> -> memref<128x128xf32, #tpu.memory_space<vmem_shared>>
      %dma_start3A_38 = arith.constant 0 : i32
      %dma_start3A_39 = tpu.memref_slice %arg11[%add3A_16, %dma_start3A_38] : memref<10240x128xf32, #tpu.memory_space<vmem_shared>> -> memref<128x128xf32, #tpu.memory_space<vmem_shared>>
      tpu.enqueue_dma source(%arg10 : memref<128x128xf32, #tpu.memory_space<vmem>>) target(%dma_start3A_39 : memref<128x128xf32, #tpu.memory_space<vmem_shared>>) target_semaphore(%run_scoped3A : memref<!tpu.dma_semaphore, #tpu.memory_space<semaphore_mem>>)
      %dma_wait3A = arith.constant 0 : i32
      %dma_wait3A_40 = tpu.memref_slice %arg11[%add3A_16, %dma_wait3A] : memref<10240x128xf32, #tpu.memory_space<vmem_shared>> -> memref<128x128xf32, #tpu.memory_space<vmem_shared>>
      %dma_wait3A_41 = arith.constant 0 : i32
      %dma_wait3A_42 = tpu.memref_slice %arg11[%add3A_16, %dma_wait3A_41] : memref<10240x128xf32, #tpu.memory_space<vmem_shared>> -> memref<128x128xf32, #tpu.memory_space<vmem_shared>>
      tpu.wait_dma2 semaphore(%run_scoped3A : memref<!tpu.dma_semaphore, #tpu.memory_space<semaphore_mem>>) src(%arg10 : memref<128x128xf32, #tpu.memory_space<vmem>>) dst(%dma_wait3A_42 : memref<128x128xf32, #tpu.memory_space<vmem_shared>>)
      tpu.yield
    }) : () -> ()
    %add3A_17 = arith.constant 512 : i32
    %add3A_18 = arith.addi %mul3A_8, %add3A_17 : i32
    "tpu.region"() ({
      %run_scoped3A = tpu.sem_alloc : memref<!tpu.dma_semaphore, #tpu.memory_space<semaphore_mem>>
      %dma_start3A = arith.constant 0 : i32
      %dma_start3A_37 = tpu.memref_slice %arg11[%add3A_18, %dma_start3A] : memref<10240x128xf32, #tpu.memory_space<vmem_shared>> -> memref<128x128xf32, #tpu.memory_space<vmem_shared>>
      %dma_start3A_38 = arith.constant 0 : i32
      %dma_start3A_39 = tpu.memref_slice %arg11[%add3A_18, %dma_start3A_38] : memref<10240x128xf32, #tpu.memory_space<vmem_shared>> -> memref<128x128xf32, #tpu.memory_space<vmem_shared>>
      tpu.enqueue_dma source(%arg10 : memref<128x128xf32, #tpu.memory_space<vmem>>) target(%dma_start3A_39 : memref<128x128xf32, #tpu.memory_space<vmem_shared>>) target_semaphore(%run_scoped3A : memref<!tpu.dma_semaphore, #tpu.memory_space<semaphore_mem>>)
      %dma_wait3A = arith.constant 0 : i32
      %dma_wait3A_40 = tpu.memref_slice %arg11[%add3A_18, %dma_wait3A] : memref<10240x128xf32, #tpu.memory_space<vmem_shared>> -> memref<128x128xf32, #tpu.memory_space<vmem_shared>>
      %dma_wait3A_41 = arith.constant 0 : i32
      %dma_wait3A_42 = tpu.memref_slice %arg11[%add3A_18, %dma_wait3A_41] : memref<10240x128xf32, #tpu.memory_space<vmem_shared>> -> memref<128x128xf32, #tpu.memory_space<vmem_shared>>
      tpu.wait_dma2 semaphore(%run_scoped3A : memref<!tpu.dma_semaphore, #tpu.memory_space<semaphore_mem>>) src(%arg10 : memref<128x128xf32, #tpu.memory_space<vmem>>) dst(%dma_wait3A_42 : memref<128x128xf32, #tpu.memory_space<vmem_shared>>)
      tpu.yield
    }) : () -> ()
    %scan3A_19 = arith.constant 0 : i32
    %scan3A_20 = arith.constant 0 : i32
    %scan3A_21 = arith.constant 640 : i32
    %scan3A_22 = arith.addi %scan3A_20, %scan3A_21 : i32
    %scan3A_23 = arith.constant 1 : i32
    %scan3A_24 = scf.for %scan3A_37 = %scan3A_20 to %scan3A_22 step %scan3A_23 iter_args(%scan3A_38 = %scan3A_19) -> (i32)  : i32 {
      %broadcast_in_dim3A_39 = arith.constant 0.000000e+00 : f32
      %broadcast_in_dim3A_40 = vector.broadcast %broadcast_in_dim3A_39 : f32 to vector<16xf32>
      %mul3A_41 = arith.constant 16 : i32
      %mul3A_42 = arith.muli %scan3A_37, %mul3A_41 : i32
      %swap3A = arith.constant 0 : i32
      %swap3A_43 = arith.index_cast %swap3A : i32 to index
      %swap3A_44 = arith.index_cast %mul3A_42 : i32 to index
      %swap3A_45 = tpu.vector_load %arg13[%swap3A_43, %swap3A_44] {strides = array<i32>} : memref<1x10240xf32, #tpu.memory_space<vmem>>, vector<16xf32>,
      tpu.vector_store %arg13[%swap3A_43, %swap3A_44], %broadcast_in_dim3A_40 {strides = array<i32>} : memref<1x10240xf32, #tpu.memory_space<vmem>>, vector<16xf32>,
      %scan3A_46 = arith.constant 0 : i32
      scf.yield %scan3A_46 : i32
    }
    %scan3A_25 = arith.constant 640 : i32
    %barrier3A = arith.constant 0 : index
    tpu.barrier barrier_id(%barrier3A)
    %mul3A_26 = arith.constant 10000 : i32
    %mul3A_27 = arith.muli %add3A, %mul3A_26 : i32
    %broadcast_in_dim3A = arith.constant 0 : i32
    %broadcast_in_dim3A_28 = vector.broadcast %broadcast_in_dim3A : i32 to vector<16xi32>
    %scan3A_29 = arith.constant 0 : i32
    %scan3A_30 = arith.constant 0 : i32
    %scan3A_31 = arith.constant 125 : i32
    %scan3A_32 = arith.addi %scan3A_30, %scan3A_31 : i32
    %scan3A_33 = arith.constant 1 : i32
    %scan3A_34 = scf.for %scan3A_37 = %scan3A_30 to %scan3A_32 step %scan3A_33 iter_args(%scan3A_38 = %scan3A_29) -> (i32)  : i32 {
      %mul3A_39 = arith.constant 80 : i32
      %mul3A_40 = arith.muli %scan3A_37, %mul3A_39 : i32
      %add3A_41 = arith.addi %mul3A_27, %mul3A_40 : i32
      "tpu.region"() ({
        %run_scoped3A = tpu.sem_alloc : memref<!tpu.dma_semaphore, #tpu.memory_space<semaphore_mem>>
        %dma_start3A_79 = tpu.memref_slice %arg3[%add3A_41] : memref<320000xi32, #tpu.memory_space<hbm>> -> memref<80xi32, #tpu.memory_space<hbm>>
        %dma_start3A_80 = tpu.memref_slice %arg3[%add3A_41] : memref<320000xi32, #tpu.memory_space<hbm>> -> memref<80xi32, #tpu.memory_space<hbm>>
        tpu.enqueue_dma source(%dma_start3A_80 : memref<80xi32, #tpu.memory_space<hbm>>) target(%arg7 : memref<80xi32, #tpu.memory_space<vmem>>) target_semaphore(%run_scoped3A : memref<!tpu.dma_semaphore, #tpu.memory_space<semaphore_mem>>)
        %dma_wait3A_81 = tpu.memref_slice %arg3[%add3A_41] : memref<320000xi32, #tpu.memory_space<hbm>> -> memref<80xi32, #tpu.memory_space<hbm>>
        %dma_wait3A_82 = tpu.memref_slice %arg3[%add3A_41] : memref<320000xi32, #tpu.memory_space<hbm>> -> memref<80xi32, #tpu.memory_space<hbm>>
        tpu.wait_dma2 semaphore(%run_scoped3A : memref<!tpu.dma_semaphore, #tpu.memory_space<semaphore_mem>>) src(%dma_wait3A_82 : memref<80xi32, #tpu.memory_space<hbm>>) dst(%arg7 : memref<80xi32, #tpu.memory_space<vmem>>)
        tpu.yield
      }) : () -> ()
      "tpu.region"() ({
        %run_scoped3A = tpu.sem_alloc : memref<!tpu.dma_semaphore, #tpu.memory_space<semaphore_mem>>
        %dma_start3A_79 = tpu.memref_slice %arg4[%add3A_41] : memref<320000xi32, #tpu.memory_space<hbm>> -> memref<80xi32, #tpu.memory_space<hbm>>
        %dma_start3A_80 = tpu.memref_slice %arg4[%add3A_41] : memref<320000xi32, #tpu.memory_space<hbm>> -> memref<80xi32, #tpu.memory_space<hbm>>
        tpu.enqueue_dma source(%dma_start3A_80 : memref<80xi32, #tpu.memory_space<hbm>>) target(%arg8 : memref<80xi32, #tpu.memory_space<vmem>>) target_semaphore(%run_scoped3A : memref<!tpu.dma_semaphore, #tpu.memory_space<semaphore_mem>>)
        %dma_wait3A_81 = tpu.memref_slice %arg4[%add3A_41] : memref<320000xi32, #tpu.memory_space<hbm>> -> memref<80xi32, #tpu.memory_space<hbm>>
        %dma_wait3A_82 = tpu.memref_slice %arg4[%add3A_41] : memref<320000xi32, #tpu.memory_space<hbm>> -> memref<80xi32, #tpu.memory_space<hbm>>
        tpu.wait_dma2 semaphore(%run_scoped3A : memref<!tpu.dma_semaphore, #tpu.memory_space<semaphore_mem>>) src(%dma_wait3A_82 : memref<80xi32, #tpu.memory_space<hbm>>) dst(%arg8 : memref<80xi32, #tpu.memory_space<vmem>>)
        tpu.yield
      }) : () -> ()
      %dma_start3A = arith.constant 0 : i32
      %dma_start3A_42 = arith.constant 0 : i32
      %dma_start3A_43 = tpu.memref_slice %arg2[%dma_start3A, %dma_start3A_42] : memref<10000x128xf32, #tpu.memory_space<hbm>> -> memref<10000x128xf32, #tpu.memory_space<hbm>>
      tpu.enqueue_indirect_dma source(%dma_start3A_43 : memref<10000x128xf32, #tpu.memory_space<hbm>>) target(%arg9 : memref<80x128xf32, #tpu.memory_space<vmem>>) offsets(%arg7 : memref<80xi32, #tpu.memory_space<vmem>>) semaphore(%arg12 : memref<!tpu.dma_semaphore, #tpu.memory_space<semaphore_mem>>)
      %get3A = arith.constant 0 : index
      %get3A_44 = tpu.vector_load %arg8[%get3A] {strides = array<i32>} : memref<80xi32, #tpu.memory_space<vmem>>, vector<16xi32>,
      %broadcast_in_dim3A_45 = arith.constant true
      %broadcast_in_dim3A_46 = vector.broadcast %broadcast_in_dim3A_45 : i1 to vector<16xi1>
      %unique3A, %unique3A_47 = tpu.scan_count mask(%broadcast_in_dim3A_46 : vector<16xi1>) value(%get3A_44 : vector<16xi32>) : vector<16xi1>, vector<16xi32>
      %convert_element_type3A = arith.sitofp %unique3A_47 : vector<16xi32> to vector<16xf32>
      tpu.vector_store_idx %arg13[%broadcast_in_dim3A_28, %get3A_44], %convert_element_type3A masked %unique3A {add = true} : memref<1x10240xf32, #tpu.memory_space<vmem>>[vector<16xi32>, vector<16xi32>], vector<16xf32>, vector<16xi1>
      %get3A_48 = arith.constant 16 : index
      %get3A_49 = tpu.vector_load %arg8[%get3A_48] {strides = array<i32>} : memref<80xi32, #tpu.memory_space<vmem>>, vector<16xi32>,
      %broadcast_in_dim3A_50 = arith.constant true
      %broadcast_in_dim3A_51 = vector.broadcast %broadcast_in_dim3A_50 : i1 to vector<16xi1>
      %unique3A_52, %unique3A_53 = tpu.scan_count mask(%broadcast_in_dim3A_51 : vector<16xi1>) value(%get3A_49 : vector<16xi32>) : vector<16xi1>, vector<16xi32>
      %convert_element_type3A_54 = arith.sitofp %unique3A_53 : vector<16xi32> to vector<16xf32>
      tpu.vector_store_idx %arg13[%broadcast_in_dim3A_28, %get3A_49], %convert_element_type3A_54 masked %unique3A_52 {add = true} : memref<1x10240xf32, #tpu.memory_space<vmem>>[vector<16xi32>, vector<16xi32>], vector<16xf32>, vector<16xi1>
      %get3A_55 = arith.constant 32 : index
      %get3A_56 = tpu.vector_load %arg8[%get3A_55] {strides = array<i32>} : memref<80xi32, #tpu.memory_space<vmem>>, vector<16xi32>,
      %broadcast_in_dim3A_57 = arith.constant true
      %broadcast_in_dim3A_58 = vector.broadcast %broadcast_in_dim3A_57 : i1 to vector<16xi1>
      %unique3A_59, %unique3A_60 = tpu.scan_count mask(%broadcast_in_dim3A_58 : vector<16xi1>) value(%get3A_56 : vector<16xi32>) : vector<16xi1>, vector<16xi32>
      %convert_element_type3A_61 = arith.sitofp %unique3A_60 : vector<16xi32> to vector<16xf32>
      tpu.vector_store_idx %arg13[%broadcast_in_dim3A_28, %get3A_56], %convert_element_type3A_61 masked %unique3A_59 {add = true} : memref<1x10240xf32, #tpu.memory_space<vmem>>[vector<16xi32>, vector<16xi32>], vector<16xf32>, vector<16xi1>
      %get3A_62 = arith.constant 48 : index
      %get3A_63 = tpu.vector_load %arg8[%get3A_62] {strides = array<i32>} : memref<80xi32, #tpu.memory_space<vmem>>, vector<16xi32>,
      %broadcast_in_dim3A_64 = arith.constant true
      %broadcast_in_dim3A_65 = vector.broadcast %broadcast_in_dim3A_64 : i1 to vector<16xi1>
      %unique3A_66, %unique3A_67 = tpu.scan_count mask(%broadcast_in_dim3A_65 : vector<16xi1>) value(%get3A_63 : vector<16xi32>) : vector<16xi1>, vector<16xi32>
      %convert_element_type3A_68 = arith.sitofp %unique3A_67 : vector<16xi32> to vector<16xf32>
      tpu.vector_store_idx %arg13[%broadcast_in_dim3A_28, %get3A_63], %convert_element_type3A_68 masked %unique3A_66 {add = true} : memref<1x10240xf32, #tpu.memory_space<vmem>>[vector<16xi32>, vector<16xi32>], vector<16xf32>, vector<16xi1>
      %get3A_69 = arith.constant 64 : index
      %get3A_70 = tpu.vector_load %arg8[%get3A_69] {strides = array<i32>} : memref<80xi32, #tpu.memory_space<vmem>>, vector<16xi32>,
      %broadcast_in_dim3A_71 = arith.constant true
      %broadcast_in_dim3A_72 = vector.broadcast %broadcast_in_dim3A_71 : i1 to vector<16xi1>
      %unique3A_73, %unique3A_74 = tpu.scan_count mask(%broadcast_in_dim3A_72 : vector<16xi1>) value(%get3A_70 : vector<16xi32>) : vector<16xi1>, vector<16xi32>
      %convert_element_type3A_75 = arith.sitofp %unique3A_74 : vector<16xi32> to vector<16xf32>
      tpu.vector_store_idx %arg13[%broadcast_in_dim3A_28, %get3A_70], %convert_element_type3A_75 masked %unique3A_73 {add = true} : memref<1x10240xf32, #tpu.memory_space<vmem>>[vector<16xi32>, vector<16xi32>], vector<16xf32>, vector<16xi1>
      %dma_wait3A = arith.constant 0 : i32
      %dma_wait3A_76 = arith.constant 0 : i32
      %dma_wait3A_77 = tpu.memref_slice %arg2[%dma_wait3A, %dma_wait3A_76] : memref<10000x128xf32, #tpu.memory_space<hbm>> -> memref<10000x128xf32, #tpu.memory_space<hbm>>
      tpu.wait_indirect_dma semaphore(%arg12 : memref<!tpu.dma_semaphore, #tpu.memory_space<semaphore_mem>>) src(%dma_wait3A_77 : memref<10000x128xf32, #tpu.memory_space<hbm>>) dst(%arg9 : memref<80x128xf32, #tpu.memory_space<vmem>>)
      "tpu.region"() ({
        %run_scoped3A = tpu.sem_alloc : memref<!tpu.dma_semaphore, #tpu.memory_space<semaphore_mem>>
        %dma_start3A_79 = arith.constant 0 : i32
        %dma_start3A_80 = arith.constant 0 : i32
        %dma_start3A_81 = tpu.memref_slice %arg11[%dma_start3A_79, %dma_start3A_80] : memref<10240x128xf32, #tpu.memory_space<vmem_shared>> -> memref<10240x128xf32, #tpu.memory_space<vmem_shared>>
        tpu.enqueue_indirect_dma source(%arg9 : memref<80x128xf32, #tpu.memory_space<vmem>>) target(%dma_start3A_81 : memref<10240x128xf32, #tpu.memory_space<vmem_shared>>) offsets(%arg8 : memref<80xi32, #tpu.memory_space<vmem>>) semaphore(%run_scoped3A : memref<!tpu.dma_semaphore, #tpu.memory_space<semaphore_mem>>) {add = true}
        %dma_wait3A_82 = arith.constant 0 : i32
        %dma_wait3A_83 = arith.constant 0 : i32
        %dma_wait3A_84 = tpu.memref_slice %arg11[%dma_wait3A_82, %dma_wait3A_83] : memref<10240x128xf32, #tpu.memory_space<vmem_shared>> -> memref<10240x128xf32, #tpu.memory_space<vmem_shared>>
        tpu.wait_indirect_dma semaphore(%run_scoped3A : memref<!tpu.dma_semaphore, #tpu.memory_space<semaphore_mem>>) src(%arg9 : memref<80x128xf32, #tpu.memory_space<vmem>>) dst(%dma_wait3A_84 : memref<10240x128xf32, #tpu.memory_space<vmem_shared>>)
        tpu.yield
      }) : () -> ()
      %scan3A_78 = arith.constant 0 : i32
      scf.yield %scan3A_78 : i32
    }
    %scan3A_35 = arith.constant 125 : i32
    %barrier3A_36 = arith.constant 0 : index
    tpu.barrier barrier_id(%barrier3A_36)
    "tpu.region"() ({
      %run_scoped3A = tpu.sem_alloc : memref<!tpu.dma_semaphore, #tpu.memory_space<semaphore_mem>>
      %dma_start3A = arith.constant 0 : i32
      %dma_start3A_37 = tpu.memref_slice %arg5[%arg0, %mul3A_8, %dma_start3A] : memref<2x10240x128xf32, #tpu.memory_space<hbm>> -> memref<1x640x128xf32, #tpu.memory_space<hbm>>
      %dma_start3A_38 = tpu.memref_squeeze %dma_start3A_37 : memref<1x640x128xf32, #tpu.memory_space<hbm>> -> memref<640x128xf32, #tpu.memory_space<hbm>>
      %dma_start3A_39 = arith.constant 0 : i32
      %dma_start3A_40 = tpu.memref_slice %arg11[%mul3A_8, %dma_start3A_39] : memref<10240x128xf32, #tpu.memory_space<vmem_shared>> -> memref<640x128xf32, #tpu.memory_space<vmem_shared>>
      tpu.enqueue_dma source(%dma_start3A_40 : memref<640x128xf32, #tpu.memory_space<vmem_shared>>) target(%dma_start3A_38 : memref<640x128xf32, #tpu.memory_space<hbm>>) target_semaphore(%run_scoped3A : memref<!tpu.dma_semaphore, #tpu.memory_space<semaphore_mem>>)
      %dma_wait3A = arith.constant 0 : i32
      %dma_wait3A_41 = tpu.memref_slice %arg5[%arg0, %mul3A_8, %dma_wait3A] : memref<2x10240x128xf32, #tpu.memory_space<hbm>> -> memref<1x640x128xf32, #tpu.memory_space<hbm>>
      %dma_wait3A_42 = tpu.memref_squeeze %dma_wait3A_41 : memref<1x640x128xf32, #tpu.memory_space<hbm>> -> memref<640x128xf32, #tpu.memory_space<hbm>>
      %dma_wait3A_43 = arith.constant 0 : i32
      %dma_wait3A_44 = tpu.memref_slice %arg11[%mul3A_8, %dma_wait3A_43] : memref<10240x128xf32, #tpu.memory_space<vmem_shared>> -> memref<640x128xf32, #tpu.memory_space<vmem_shared>>
      tpu.wait_dma2 semaphore(%run_scoped3A : memref<!tpu.dma_semaphore, #tpu.memory_space<semaphore_mem>>) src(%dma_wait3A_44 : memref<640x128xf32, #tpu.memory_space<vmem_shared>>) dst(%dma_wait3A_42 : memref<640x128xf32, #tpu.memory_space<hbm>>)
      tpu.yield
    }) : () -> ()
    "tpu.region"() ({
      %run_scoped3A = tpu.sem_alloc : memref<!tpu.dma_semaphore, #tpu.memory_space<semaphore_mem>>
      %dma_start3A = arith.constant 0 : i32
      %dma_start3A_37 = arith.constant 0 : i32
      %dma_start3A_38 = tpu.memref_slice %arg6[%add3A, %dma_start3A, %dma_start3A_37] : memref<32x1x10240xf32, #tpu.memory_space<hbm>> -> memref<1x1x10240xf32, #tpu.memory_space<hbm>>
      %dma_start3A_39 = tpu.memref_squeeze %dma_start3A_38 : memref<1x1x10240xf32, #tpu.memory_space<hbm>> -> memref<1x10240xf32, #tpu.memory_space<hbm>>
      %dma_start3A_40 = arith.constant 0 : i32
      %dma_start3A_41 = arith.constant 0 : i32
      %dma_start3A_42 = tpu.memref_slice %arg6[%add3A, %dma_start3A_40, %dma_start3A_41] : memref<32x1x10240xf32, #tpu.memory_space<hbm>> -> memref<1x1x10240xf32, #tpu.memory_space<hbm>>
      %dma_start3A_43 = tpu.memref_squeeze %dma_start3A_42 : memref<1x1x10240xf32, #tpu.memory_space<hbm>> -> memref<1x10240xf32, #tpu.memory_space<hbm>>
      tpu.enqueue_dma source(%arg13 : memref<1x10240xf32, #tpu.memory_space<vmem>>) target(%dma_start3A_43 : memref<1x10240xf32, #tpu.memory_space<hbm>>) target_semaphore(%run_scoped3A : memref<!tpu.dma_semaphore, #tpu.memory_space<semaphore_mem>>)
      %dma_wait3A = arith.constant 0 : i32
      %dma_wait3A_44 = arith.constant 0 : i32
      %dma_wait3A_45 = tpu.memref_slice %arg6[%add3A, %dma_wait3A, %dma_wait3A_44] : memref<32x1x10240xf32, #tpu.memory_space<hbm>> -> memref<1x1x10240xf32, #tpu.memory_space<hbm>>
      %dma_wait3A_46 = tpu.memref_squeeze %dma_wait3A_45 : memref<1x1x10240xf32, #tpu.memory_space<hbm>> -> memref<1x10240xf32, #tpu.memory_space<hbm>>
      %dma_wait3A_47 = arith.constant 0 : i32
      %dma_wait3A_48 = arith.constant 0 : i32
      %dma_wait3A_49 = tpu.memref_slice %arg6[%add3A, %dma_wait3A_47, %dma_wait3A_48] : memref<32x1x10240xf32, #tpu.memory_space<hbm>> -> memref<1x1x10240xf32, #tpu.memory_space<hbm>>
      %dma_wait3A_50 = tpu.memref_squeeze %dma_wait3A_49 : memref<1x1x10240xf32, #tpu.memory_space<hbm>> -> memref<1x10240xf32, #tpu.memory_space<hbm>>
      tpu.wait_dma2 semaphore(%run_scoped3A : memref<!tpu.dma_semaphore, #tpu.memory_space<semaphore_mem>>) src(%arg13 : memref<1x10240xf32, #tpu.memory_space<vmem>>) dst(%dma_wait3A_50 : memref<1x10240xf32, #tpu.memory_space<hbm>>)
      tpu.yield
    }) : () -> ()
    return
  }
}

module attributes {stable_mosaic.version = 14 : i64} {
  func.func @_layer0_body(%arg0: i32, %arg1: memref<2x1280x128xf32, #tpu.memory_space<vmem>>, %arg2: memref<32x1x1280xf32, #tpu.memory_space<vmem>>, %arg3: memref<1280x128xf32, #tpu.memory_space<vmem>>, %arg4: memref<128x128xf32, #tpu.memory_space<vmem>>, %arg5: memref<1x128xf32, #tpu.memory_space<vmem>>, %arg6: memref<128x128xf32, #tpu.memory_space<vmem>>, %arg7: memref<1280x128xf32, #tpu.memory_space<vmem>>) attributes {dimension_semantics = [#tpu.dimension_semantics<parallel>], iteration_bounds = array<i64: 8>, scalar_prefetch = 0 : i64, scratch_operands = 0 : i64, tpu.core_type = #tpu.core_type<tc>, window_params = [{transform_indices = @transform_0, window_bounds = array<i64: 2, 1280, 128>}, {transform_indices = @transform_1, window_bounds = array<i64: 32, 1, 1280>}, {transform_indices = @transform_2, window_bounds = array<i64: 1280, 128>}, {pipeline_mode = #tpu.pipeline_mode<synchronous>, transform_indices = @transform_3, window_bounds = array<i64: 128, 128>}, {pipeline_mode = #tpu.pipeline_mode<synchronous>, transform_indices = @transform_4, window_bounds = array<i64: 1, 128>}, {pipeline_mode = #tpu.pipeline_mode<synchronous>, transform_indices = @transform_5, window_bounds = array<i64: 128, 128>}, {transform_indices = @transform_6, window_bounds = array<i64: 1280, 128>}]} {
    %get3A = arith.constant 0 : index
    %get3A_0 = arith.constant 0 : index
    %get3A_1 = arith.constant 0 : index
    %get3A_2 = vector.load %arg1[%get3A, %get3A_0, %get3A_1] : memref<2x1280x128xf32, #tpu.memory_space<vmem>>, vector<1x1280x128xf32>
    %get3A_3 = vector.shape_cast %get3A_2 : vector<1x1280x128xf32> to vector<1280x128xf32>
    %get3A_4 = arith.constant 1 : index
    %get3A_5 = arith.constant 0 : index
    %get3A_6 = arith.constant 0 : index
    %get3A_7 = vector.load %arg1[%get3A_4, %get3A_5, %get3A_6] : memref<2x1280x128xf32, #tpu.memory_space<vmem>>, vector<1x1280x128xf32>
    %get3A_8 = vector.shape_cast %get3A_7 : vector<1x1280x128xf32> to vector<1280x128xf32>
    %add3A = arith.addf %get3A_3, %get3A_8 : vector<1280x128xf32>
    %get3A_9 = arith.constant 0 : index
    %get3A_10 = arith.constant 0 : index
    %get3A_11 = arith.constant 0 : index
    %get3A_12 = vector.load %arg2[%get3A_9, %get3A_10, %get3A_11] : memref<32x1x1280xf32, #tpu.memory_space<vmem>>, vector<32x1x1280xf32>
    %get3A_13 = vector.shape_cast %get3A_12 : vector<32x1x1280xf32> to vector<32x1280xf32>
    %broadcast_in_dim3A = arith.constant 1.000000e+00 : f32
    %broadcast_in_dim3A_14 = vector.broadcast %broadcast_in_dim3A : f32 to vector<32x1xf32>
    %dot_general3A = arith.constant dense<0.000000e+00> : vector<1280x1xf32>
    %dot_general3A_15 = tpu.matmul %get3A_13, %broadcast_in_dim3A_14, %dot_general3A {dimension_numbers = #tpu.dot_dimension_numbers<[0], [0], [1], [1], [0, 1, 1, 1], [], []>, precision = #tpu.contract_precision<fp32>, transpose_lhs_hint = false} : vector<32x1280xf32>, vector<32x1xf32>, vector<1280x1xf32> -> vector<1280x1xf32>
    %gt3A = arith.constant 0.000000e+00 : f32
    %gt3A_16 = vector.broadcast %gt3A : f32 to vector<1280x1xf32>
    %gt3A_17 = arith.cmpf ogt, %dot_general3A_15, %gt3A_16 : vector<1280x1xf32>
    %max3A = arith.constant 1.000000e+00 : f32
    %max3A_18 = vector.broadcast %max3A : f32 to vector<1280x1xf32>
    %max3A_19 = arith.maximumf %dot_general3A_15, %max3A_18 : vector<1280x1xf32>
    %div3A = vector.broadcast %max3A_19 : vector<1280x1xf32> to vector<1280x128xf32>
    %div3A_20 = arith.divf %add3A, %div3A : vector<1280x128xf32>
    %jit3A = arith.constant 0.000000e+00 : f32
    %broadcast_in_dim3A_21 = vector.shape_cast %gt3A_17 : vector<1280x1xi1> to vector<1280x1xi1>
    %broadcast_in_dim3A_22 = vector.broadcast %broadcast_in_dim3A_21 : vector<1280x1xi1> to vector<1280x128xi1>
    %broadcast_in_dim3A_23 = vector.broadcast %jit3A : f32 to vector<1280x128xf32>
    %select_n3A = arith.select %broadcast_in_dim3A_22, %div3A_20, %broadcast_in_dim3A_23 : vector<1280x128xi1>, vector<1280x128xf32>
    %get3A_24 = arith.constant 0 : index
    %get3A_25 = arith.constant 0 : index
    %get3A_26 = vector.load %arg4[%get3A_24, %get3A_25] : memref<128x128xf32, #tpu.memory_space<vmem>>, vector<128x128xf32>
    %dot_general3A_27 = arith.constant dense<0.000000e+00> : vector<1280x128xf32>
    %dot_general3A_28 = tpu.matmul %select_n3A, %get3A_26, %dot_general3A_27 {dimension_numbers = #tpu.dot_dimension_numbers<[1], [1], [0], [0], [0, 0, 1, 0], [], []>, precision = #tpu.contract_precision<fp32>, transpose_lhs_hint = false} : vector<1280x128xf32>, vector<128x128xf32>, vector<1280x128xf32> -> vector<1280x128xf32>
    %get3A_29 = arith.constant 0 : index
    %get3A_30 = arith.constant 0 : index
    %get3A_31 = vector.load %arg5[%get3A_29, %get3A_30] : memref<1x128xf32, #tpu.memory_space<vmem>>, vector<1x128xf32>
    %add3A_32 = vector.broadcast %get3A_31 : vector<1x128xf32> to vector<1280x128xf32>
    %add3A_33 = arith.addf %dot_general3A_28, %add3A_32 : vector<1280x128xf32>
    %get3A_34 = arith.constant 0 : index
    %get3A_35 = arith.constant 0 : index
    %get3A_36 = vector.load %arg3[%get3A_34, %get3A_35] : memref<1280x128xf32, #tpu.memory_space<vmem>>, vector<1280x128xf32>
    %get3A_37 = arith.constant 0 : index
    %get3A_38 = arith.constant 0 : index
    %get3A_39 = vector.load %arg6[%get3A_37, %get3A_38] : memref<128x128xf32, #tpu.memory_space<vmem>>, vector<128x128xf32>
    %dot_general3A_40 = arith.constant dense<0.000000e+00> : vector<1280x128xf32>
    %dot_general3A_41 = tpu.matmul %get3A_36, %get3A_39, %dot_general3A_40 {dimension_numbers = #tpu.dot_dimension_numbers<[1], [1], [0], [0], [0, 0, 1, 0], [], []>, precision = #tpu.contract_precision<fp32>, transpose_lhs_hint = false} : vector<1280x128xf32>, vector<128x128xf32>, vector<1280x128xf32> -> vector<1280x128xf32>
    %add3A_42 = arith.addf %add3A_33, %dot_general3A_41 : vector<1280x128xf32>
    %max3A_43 = arith.constant 0.000000e+00 : f32
    %max3A_44 = vector.broadcast %max3A_43 : f32 to vector<1280x128xf32>
    %max3A_45 = arith.maximumf %add3A_42, %max3A_44 : vector<1280x128xf32>
    %swap3A = arith.constant 0 : index
    %swap3A_46 = arith.constant 0 : index
    %swap3A_47 = vector.load %arg7[%swap3A, %swap3A_46] : memref<1280x128xf32, #tpu.memory_space<vmem>>, vector<1280x128xf32>
    tpu.vector_store %arg7[%swap3A, %swap3A_46], %max3A_45 {strides = array<i32>} : memref<1280x128xf32, #tpu.memory_space<vmem>>, vector<1280x128xf32>,
    return
  }
  func.func @transform_0(%arg0: i32) -> (i32, i32, i32) {
    %c0_i32 = arith.constant 0 : i32
    %c0_i32_0 = arith.constant 0 : i32
    %c0_i32_1 = arith.constant 0 : i32
    return %c0_i32, %arg0, %c0_i32_0 : i32, i32, i32
  }
  func.func @transform_1(%arg0: i32) -> (i32, i32, i32) {
    %c0_i32 = arith.constant 0 : i32
    %c0_i32_0 = arith.constant 0 : i32
    %c0_i32_1 = arith.constant 0 : i32
    return %c0_i32, %c0_i32_0, %arg0 : i32, i32, i32
  }
  func.func @transform_2(%arg0: i32) -> (i32, i32) {
    %c0_i32 = arith.constant 0 : i32
    %c0_i32_0 = arith.constant 0 : i32
    return %arg0, %c0_i32 : i32, i32
  }
  func.func @transform_3(%arg0: i32) -> (i32, i32) {
    %c0_i32 = arith.constant 0 : i32
    %c0_i32_0 = arith.constant 0 : i32
    %c0_i32_1 = arith.constant 0 : i32
    return %c0_i32, %c0_i32_0 : i32, i32
  }
  func.func @transform_4(%arg0: i32) -> (i32, i32) {
    %c0_i32 = arith.constant 0 : i32
    %c0_i32_0 = arith.constant 0 : i32
    %c0_i32_1 = arith.constant 0 : i32
    return %c0_i32, %c0_i32_0 : i32, i32
  }
  func.func @transform_5(%arg0: i32) -> (i32, i32) {
    %c0_i32 = arith.constant 0 : i32
    %c0_i32_0 = arith.constant 0 : i32
    %c0_i32_1 = arith.constant 0 : i32
    return %c0_i32, %c0_i32_0 : i32, i32
  }
  func.func @transform_6(%arg0: i32) -> (i32, i32) {
    %c0_i32 = arith.constant 0 : i32
    %c0_i32_0 = arith.constant 0 : i32
    return %arg0, %c0_i32 : i32, i32
  }
}

module attributes {stable_mosaic.version = 14 : i64} {
  func.func @_final_body(%arg0: i32, %arg1: memref<2x1280x128xf32, #tpu.memory_space<vmem>>, %arg2: memref<32x1x1280xf32, #tpu.memory_space<vmem>>, %arg3: memref<1280x128xf32, #tpu.memory_space<vmem>>, %arg4: memref<128x128xf32, #tpu.memory_space<vmem>>, %arg5: memref<1x128xf32, #tpu.memory_space<vmem>>, %arg6: memref<128x128xf32, #tpu.memory_space<vmem>>, %arg7: memref<128x128xf32, #tpu.memory_space<vmem>>, %arg8: memref<1x128xf32, #tpu.memory_space<vmem>>, %arg9: memref<128x128xf32, #tpu.memory_space<vmem>>, %arg10: memref<1x128xf32, #tpu.memory_space<vmem>>, %arg11: memref<1280x128xf32, #tpu.memory_space<vmem>>) attributes {dimension_semantics = [#tpu.dimension_semantics<parallel>], iteration_bounds = array<i64: 8>, scalar_prefetch = 0 : i64, scratch_operands = 0 : i64, tpu.core_type = #tpu.core_type<tc>, window_params = [{transform_indices = @transform_0, window_bounds = array<i64: 2, 1280, 128>}, {transform_indices = @transform_1, window_bounds = array<i64: 32, 1, 1280>}, {transform_indices = @transform_2, window_bounds = array<i64: 1280, 128>}, {pipeline_mode = #tpu.pipeline_mode<synchronous>, transform_indices = @transform_3, window_bounds = array<i64: 128, 128>}, {pipeline_mode = #tpu.pipeline_mode<synchronous>, transform_indices = @transform_4, window_bounds = array<i64: 1, 128>}, {pipeline_mode = #tpu.pipeline_mode<synchronous>, transform_indices = @transform_5, window_bounds = array<i64: 128, 128>}, {pipeline_mode = #tpu.pipeline_mode<synchronous>, transform_indices = @transform_6, window_bounds = array<i64: 128, 128>}, {pipeline_mode = #tpu.pipeline_mode<synchronous>, transform_indices = @transform_7, window_bounds = array<i64: 1, 128>}, {pipeline_mode = #tpu.pipeline_mode<synchronous>, transform_indices = @transform_8, window_bounds = array<i64: 128, 128>}, {pipeline_mode = #tpu.pipeline_mode<synchronous>, transform_indices = @transform_9, window_bounds = array<i64: 1, 128>}, {transform_indices = @transform_10, window_bounds = array<i64: 1280, 128>}]} {
    %get3A = arith.constant 0 : index
    %get3A_0 = arith.constant 0 : index
    %get3A_1 = arith.constant 0 : index
    %get3A_2 = vector.load %arg1[%get3A, %get3A_0, %get3A_1] : memref<2x1280x128xf32, #tpu.memory_space<vmem>>, vector<1x1280x128xf32>
    %get3A_3 = vector.shape_cast %get3A_2 : vector<1x1280x128xf32> to vector<1280x128xf32>
    %get3A_4 = arith.constant 1 : index
    %get3A_5 = arith.constant 0 : index
    %get3A_6 = arith.constant 0 : index
    %get3A_7 = vector.load %arg1[%get3A_4, %get3A_5, %get3A_6] : memref<2x1280x128xf32, #tpu.memory_space<vmem>>, vector<1x1280x128xf32>
    %get3A_8 = vector.shape_cast %get3A_7 : vector<1x1280x128xf32> to vector<1280x128xf32>
    %add3A = arith.addf %get3A_3, %get3A_8 : vector<1280x128xf32>
    %get3A_9 = arith.constant 0 : index
    %get3A_10 = arith.constant 0 : index
    %get3A_11 = arith.constant 0 : index
    %get3A_12 = vector.load %arg2[%get3A_9, %get3A_10, %get3A_11] : memref<32x1x1280xf32, #tpu.memory_space<vmem>>, vector<32x1x1280xf32>
    %get3A_13 = vector.shape_cast %get3A_12 : vector<32x1x1280xf32> to vector<32x1280xf32>
    %broadcast_in_dim3A = arith.constant 1.000000e+00 : f32
    %broadcast_in_dim3A_14 = vector.broadcast %broadcast_in_dim3A : f32 to vector<32x1xf32>
    %dot_general3A = arith.constant dense<0.000000e+00> : vector<1280x1xf32>
    %dot_general3A_15 = tpu.matmul %get3A_13, %broadcast_in_dim3A_14, %dot_general3A {dimension_numbers = #tpu.dot_dimension_numbers<[0], [0], [1], [1], [0, 1, 1, 1], [], []>, precision = #tpu.contract_precision<fp32>, transpose_lhs_hint = false} : vector<32x1280xf32>, vector<32x1xf32>, vector<1280x1xf32> -> vector<1280x1xf32>
    %gt3A = arith.constant 0.000000e+00 : f32
    %gt3A_16 = vector.broadcast %gt3A : f32 to vector<1280x1xf32>
    %gt3A_17 = arith.cmpf ogt, %dot_general3A_15, %gt3A_16 : vector<1280x1xf32>
    %max3A = arith.constant 1.000000e+00 : f32
    %max3A_18 = vector.broadcast %max3A : f32 to vector<1280x1xf32>
    %max3A_19 = arith.maximumf %dot_general3A_15, %max3A_18 : vector<1280x1xf32>
    %div3A = vector.broadcast %max3A_19 : vector<1280x1xf32> to vector<1280x128xf32>
    %div3A_20 = arith.divf %add3A, %div3A : vector<1280x128xf32>
    %jit3A = arith.constant 0.000000e+00 : f32
    %broadcast_in_dim3A_21 = vector.shape_cast %gt3A_17 : vector<1280x1xi1> to vector<1280x1xi1>
    %broadcast_in_dim3A_22 = vector.broadcast %broadcast_in_dim3A_21 : vector<1280x1xi1> to vector<1280x128xi1>
    %broadcast_in_dim3A_23 = vector.broadcast %jit3A : f32 to vector<1280x128xf32>
    %select_n3A = arith.select %broadcast_in_dim3A_22, %div3A_20, %broadcast_in_dim3A_23 : vector<1280x128xi1>, vector<1280x128xf32>
    %get3A_24 = arith.constant 0 : index
    %get3A_25 = arith.constant 0 : index
    %get3A_26 = vector.load %arg4[%get3A_24, %get3A_25] : memref<128x128xf32, #tpu.memory_space<vmem>>, vector<128x128xf32>
    %dot_general3A_27 = arith.constant dense<0.000000e+00> : vector<1280x128xf32>
    %dot_general3A_28 = tpu.matmul %select_n3A, %get3A_26, %dot_general3A_27 {dimension_numbers = #tpu.dot_dimension_numbers<[1], [1], [0], [0], [0, 0, 1, 0], [], []>, precision = #tpu.contract_precision<fp32>, transpose_lhs_hint = false} : vector<1280x128xf32>, vector<128x128xf32>, vector<1280x128xf32> -> vector<1280x128xf32>
    %get3A_29 = arith.constant 0 : index
    %get3A_30 = arith.constant 0 : index
    %get3A_31 = vector.load %arg5[%get3A_29, %get3A_30] : memref<1x128xf32, #tpu.memory_space<vmem>>, vector<1x128xf32>
    %add3A_32 = vector.broadcast %get3A_31 : vector<1x128xf32> to vector<1280x128xf32>
    %add3A_33 = arith.addf %dot_general3A_28, %add3A_32 : vector<1280x128xf32>
    %get3A_34 = arith.constant 0 : index
    %get3A_35 = arith.constant 0 : index
    %get3A_36 = vector.load %arg3[%get3A_34, %get3A_35] : memref<1280x128xf32, #tpu.memory_space<vmem>>, vector<1280x128xf32>
    %get3A_37 = arith.constant 0 : index
    %get3A_38 = arith.constant 0 : index
    %get3A_39 = vector.load %arg6[%get3A_37, %get3A_38] : memref<128x128xf32, #tpu.memory_space<vmem>>, vector<128x128xf32>
    %dot_general3A_40 = arith.constant dense<0.000000e+00> : vector<1280x128xf32>
    %dot_general3A_41 = tpu.matmul %get3A_36, %get3A_39, %dot_general3A_40 {dimension_numbers = #tpu.dot_dimension_numbers<[1], [1], [0], [0], [0, 0, 1, 0], [], []>, precision = #tpu.contract_precision<fp32>, transpose_lhs_hint = false} : vector<1280x128xf32>, vector<128x128xf32>, vector<1280x128xf32> -> vector<1280x128xf32>
    %add3A_42 = arith.addf %add3A_33, %dot_general3A_41 : vector<1280x128xf32>
    %max3A_43 = arith.constant 0.000000e+00 : f32
    %max3A_44 = vector.broadcast %max3A_43 : f32 to vector<1280x128xf32>
    %max3A_45 = arith.maximumf %add3A_42, %max3A_44 : vector<1280x128xf32>
    %get3A_46 = arith.constant 0 : index
    %get3A_47 = arith.constant 0 : index
    %get3A_48 = vector.load %arg7[%get3A_46, %get3A_47] : memref<128x128xf32, #tpu.memory_space<vmem>>, vector<128x128xf32>
    %dot_general3A_49 = arith.constant dense<0.000000e+00> : vector<1280x128xf32>
    %dot_general3A_50 = tpu.matmul %max3A_45, %get3A_48, %dot_general3A_49 {dimension_numbers = #tpu.dot_dimension_numbers<[1], [1], [0], [0], [0, 0, 1, 0], [], []>, precision = #tpu.contract_precision<fp32>, transpose_lhs_hint = false} : vector<1280x128xf32>, vector<128x128xf32>, vector<1280x128xf32> -> vector<1280x128xf32>
    %get3A_51 = arith.constant 0 : index
    %get3A_52 = arith.constant 0 : index
    %get3A_53 = vector.load %arg8[%get3A_51, %get3A_52] : memref<1x128xf32, #tpu.memory_space<vmem>>, vector<1x128xf32>
    %add3A_54 = vector.broadcast %get3A_53 : vector<1x128xf32> to vector<1280x128xf32>
    %add3A_55 = arith.addf %dot_general3A_50, %add3A_54 : vector<1280x128xf32>
    %get3A_56 = arith.constant 0 : index
    %get3A_57 = arith.constant 0 : index
    %get3A_58 = vector.load %arg9[%get3A_56, %get3A_57] : memref<128x128xf32, #tpu.memory_space<vmem>>, vector<128x128xf32>
    %dot_general3A_59 = arith.constant dense<0.000000e+00> : vector<1280x128xf32>
    %dot_general3A_60 = tpu.matmul %add3A_55, %get3A_58, %dot_general3A_59 {dimension_numbers = #tpu.dot_dimension_numbers<[1], [1], [0], [0], [0, 0, 1, 0], [], []>, precision = #tpu.contract_precision<fp32>, transpose_lhs_hint = false} : vector<1280x128xf32>, vector<128x128xf32>, vector<1280x128xf32> -> vector<1280x128xf32>
    %get3A_61 = arith.constant 0 : index
    %get3A_62 = arith.constant 0 : index
    %get3A_63 = vector.load %arg10[%get3A_61, %get3A_62] : memref<1x128xf32, #tpu.memory_space<vmem>>, vector<1x128xf32>
    %add3A_64 = vector.broadcast %get3A_63 : vector<1x128xf32> to vector<1280x128xf32>
    %add3A_65 = arith.addf %dot_general3A_60, %add3A_64 : vector<1280x128xf32>
    %reduce_max3A = arith.constant dense<0xFF800000> : vector<1280xf32>
    %reduce_max3A_66 = vector.multi_reduction <maximumf>, %add3A_65, %reduce_max3A [1] : vector<1280x128xf32> to vector<1280xf32>
    %broadcast_in_dim3A_67 = vector.shape_cast %reduce_max3A_66 : vector<1280xf32> to vector<1280x1xf32>
    %sub3A = vector.broadcast %broadcast_in_dim3A_67 : vector<1280x1xf32> to vector<1280x128xf32>
    %sub3A_68 = arith.subf %add3A_65, %sub3A : vector<1280x128xf32>
    %exp3A = math.exp %sub3A_68 : vector<1280x128xf32>
    %reduce_sum3A = arith.constant dense<0.000000e+00> : vector<1280xf32>
    %reduce_sum3A_69 = vector.multi_reduction <add>, %exp3A, %reduce_sum3A [1] : vector<1280x128xf32> to vector<1280xf32>
    %broadcast_in_dim3A_70 = vector.shape_cast %reduce_sum3A_69 : vector<1280xf32> to vector<1280x1xf32>
    %log3A = math.log %broadcast_in_dim3A_70 : vector<1280x1xf32>
    %sub3A_71 = vector.broadcast %log3A : vector<1280x1xf32> to vector<1280x128xf32>
    %sub3A_72 = arith.subf %sub3A_68, %sub3A_71 : vector<1280x128xf32>
    %swap3A = arith.constant 0 : index
    %swap3A_73 = arith.constant 0 : index
    %swap3A_74 = vector.load %arg11[%swap3A, %swap3A_73] : memref<1280x128xf32, #tpu.memory_space<vmem>>, vector<1280x128xf32>
    tpu.vector_store %arg11[%swap3A, %swap3A_73], %sub3A_72 {strides = array<i32>} : memref<1280x128xf32, #tpu.memory_space<vmem>>, vector<1280x128xf32>,
    return
  }
  func.func @transform_0(%arg0: i32) -> (i32, i32, i32) {
    %c0_i32 = arith.constant 0 : i32
    %c0_i32_0 = arith.constant 0 : i32
    %c0_i32_1 = arith.constant 0 : i32
    return %c0_i32, %arg0, %c0_i32_0 : i32, i32, i32
  }
  func.func @transform_1(%arg0: i32) -> (i32, i32, i32) {
    %c0_i32 = arith.constant 0 : i32
    %c0_i32_0 = arith.constant 0 : i32
    %c0_i32_1 = arith.constant 0 : i32
    return %c0_i32, %c0_i32_0, %arg0 : i32, i32, i32
  }
  func.func @transform_2(%arg0: i32) -> (i32, i32) {
    %c0_i32 = arith.constant 0 : i32
    %c0_i32_0 = arith.constant 0 : i32
    return %arg0, %c0_i32 : i32, i32
  }
  func.func @transform_3(%arg0: i32) -> (i32, i32) {
    %c0_i32 = arith.constant 0 : i32
    %c0_i32_0 = arith.constant 0 : i32
    %c0_i32_1 = arith.constant 0 : i32
    return %c0_i32, %c0_i32_0 : i32, i32
  }
  func.func @transform_4(%arg0: i32) -> (i32, i32) {
    %c0_i32 = arith.constant 0 : i32
    %c0_i32_0 = arith.constant 0 : i32
    %c0_i32_1 = arith.constant 0 : i32
    return %c0_i32, %c0_i32_0 : i32, i32
  }
  func.func @transform_5(%arg0: i32) -> (i32, i32) {
    %c0_i32 = arith.constant 0 : i32
    %c0_i32_0 = arith.constant 0 : i32
    %c0_i32_1 = arith.constant 0 : i32
    return %c0_i32, %c0_i32_0 : i32, i32
  }
  func.func @transform_6(%arg0: i32) -> (i32, i32) {
    %c0_i32 = arith.constant 0 : i32
    %c0_i32_0 = arith.constant 0 : i32
    %c0_i32_1 = arith.constant 0 : i32
    return %c0_i32, %c0_i32_0 : i32, i32
  }
  func.func @transform_7(%arg0: i32) -> (i32, i32) {
    %c0_i32 = arith.constant 0 : i32
    %c0_i32_0 = arith.constant 0 : i32
    %c0_i32_1 = arith.constant 0 : i32
    return %c0_i32, %c0_i32_0 : i32, i32
  }
  func.func @transform_8(%arg0: i32) -> (i32, i32) {
    %c0_i32 = arith.constant 0 : i32
    %c0_i32_0 = arith.constant 0 : i32
    %c0_i32_1 = arith.constant 0 : i32
    return %c0_i32, %c0_i32_0 : i32, i32
  }
  func.func @transform_9(%arg0: i32) -> (i32, i32) {
    %c0_i32 = arith.constant 0 : i32
    %c0_i32_0 = arith.constant 0 : i32
    %c0_i32_1 = arith.constant 0 : i32
    return %c0_i32, %c0_i32_0 : i32, i32
  }
  func.func @transform_10(%arg0: i32) -> (i32, i32) {
    %c0_i32 = arith.constant 0 : i32
    %c0_i32_0 = arith.constant 0 : i32
    return %arg0, %c0_i32 : i32, i32
  }
}

</mosaic_0001>

<sc_bundles>
// kernel: kernel.6.cloned.1.call-start
scs
__scs_entry_jumppad:
0x0: {  	(pc) =	sbr.rel $0x88, $3  }
0x1: {  	(tag) =	ssettag $0x0;
	lr =	simm.s32 $0x1  }
0x2: {  	[smem:$0x3F95] =	sst lr;
	_ =	strace $0xD0000000  }
0x3: {  	_ = 	snop  }
0x4: {  	_ = 	snop  }
0x5: {  	_ = 	snop  }
0x6: {  	_ = 	snop  }
0x7: {  	_ = 	snop  }
__scs_overlays_trampoline_lowered:
0x8: {  	[smem:$0x3FA4] =	sst s0  }
0x9: {  	[smem:$0x3FA5] =	sst s1  }
0xa: {  	[smem:$0x3FA6] =	sst s2  }
0xb: {  	[smem:$0x3FA7] =	sst s3  }
0xc: {  	[smem:$0x3FA8] =	sst s4  }
0xd: {  	[smem:$0x3FA9] =	sst s5  }
0xe: {  	[smem:$0x3FAA] =	sst s6  }
0xf: {  	[smem:$0x3FAB] =	sst s7  }
0x10: {  	[smem:$0x3FAC] =	sst s8  }
0x11: {  	[smem:$0x3FAD] =	sst s9;
	s0 =	simm.s32 @!p0 $0x0  }
0x12: {  	s1 =	sld [smem:$0x3F93];
	s0 =	simm.s32 @p0 $0x1  }
0x13: {  	[smem:$0x3FAE] =	sst s0;
	s0 =	simm.s32 @!p1 $0x0  }
0x14: {  	s2 =	sld [smem:$0x3F92];
	s0 =	simm.s32 @p1 $0x1  }
0x15: {  	[smem:$0x3FAF] =	sst s0;
	s0 =	simm.s32 @!p2 $0x0  }
0x16: {  	s3 =	sld [smem:$0x3FDB];
	s0 =	simm.s32 @p2 $0x1  }
0x17: {  	s4 =	simm.s32 $0x1BF5;
	[smem:$0x3FB1] =	sst s0  }
0x18: {  	s0 =	sld [smem:$0x3F94];
	_ =	swait.ge [sflag:s4], $0x0  }
0x19: {  	s7 =	sld [smem:$0x3F95]  }
0x1a: {  	s8 =	sadd.s32 $0xFFFFE003, lr  }
0x1b: {  	s9 =	sadd.s32 $0xFFFFFEF7, lr;
	s5 =	simm.s32 $0xFFFFFFFF;
	p2 =	slt.u32 s8, $0xFFFFF086  }
0x1c: {  	p1 =	slt.u32 s9, $0xF7A;
	s5 =	simm.s32 @!p2 $0x0  }
0x1d: {  	s5 =	simm.s32 @p1 $0x1;
	p0 =	seq.s32 s7, s2  }
0x1e: {  	s7 =	smul.u32 @!p0 $0xF7A, s2;
	p2 =	seq.s32 @!p0 s5, $0x0  }
0x1f: {  	s9 =	smul.u32 $0xF7A, s1;
	s8 =	simm.s32 @!p0 $0x1BF5;
	p2 =	por !p2, p0  }
0x20: {  	[sflag:s8] =	ssyncset.s32 @!p0 $0xFFFFF086;
	s6 =	sadd.s32 @!p0 s3, s7;
	s7 =	simm.s32 @!p0 $0x108  }
0x21: {  	s3 =	sadd.s32 s3, s9;
	s6 =	sadd.s32 @!p0 $0x88, s6;
	s7 =	simm.s32 @p2 $0x1082  }
0x22: {  	[simem:s7], [sflag:s8] =	dma.local @!p0 [hbm:s6], $0xF7A  }
0x23: {  	s9 =	sor.u32 $0xD0000000, s2;
	s6 =	simm.s32 $0x108;
	_ =	swait.ge @!p0 [sflag:s8], $0x0  }
0x24: {  	s3 =	sadd.s32 $0x88, s3;
	s6 =	simm.s32 @!p1 $0x1082;
	[sflag:s4] =	ssyncset.s32 $0xFFFFF086  }
0x25: {  	[simem:s6], [sflag:s4] =	dma.local [hbm:s3], $0xF7A  }
0x26: {  	[smem:$0x3F95] =	sst s1;
	(tag) =	ssettag s2;
	_ =	strace s9  }
0x27: {  	s1 =	sld [smem:$0x3FA5]  }
0x28: {  	s2 =	sld [smem:$0x3FA6]  }
0x29: {  	s4 =	sld [smem:$0x3FA8]  }
0x2a: {  	p0 =	seq.s32 s5, $0x0;
	s5 =	sld [smem:$0x3FA9]  }
0x2b: {  	s6 =	sld [smem:$0x3FAA]  }
0x2c: {  	s7 =	sld [smem:$0x3FAB]  }
0x2d: {  	s3 =	simm.s32 $0x108;
	s8 =	sld [smem:$0x3FAC]  }
0x2e: {  	s3 =	simm.s32 @!p0 $0x1082;
	s9 =	sld [smem:$0x3FAD]  }
0x2f: {  	lr =	sadd.s32 s0, s3;
	s0 =	sld [smem:$0x3FA4]  }
0x30: {  	s3 =	sld [smem:$0x3FA7]  }
0x31: {  	[smem:$0x3FB0] =	sst s10  }
0x32: {  	s10 =	sld [smem:$0x3FAE];
	_ =	sdelay $0x3  }
0x33: {  	p0 =	seq.s32 s10, $0x1;
	s10 =	sld [smem:$0x3FB0];
	_ =	sdelay $0x3  }
0x34: {  	[smem:$0x3FB0] =	sst s10  }
0x35: {  	s10 =	sld [smem:$0x3FAF];
	_ =	sdelay $0x3  }
0x36: {  	p1 =	seq.s32 s10, $0x1;
	s10 =	sld [smem:$0x3FB0];
	_ =	sdelay $0x3  }
0x37: {  	[smem:$0x3FB0] =	sst s10  }
0x38: {  	s10 =	sld [smem:$0x3FB1]  }
0x39: {  	_ = 	snop;
	(pc) =	sbr.ind lr, $3  }
0x3a: {  	_ = 	snop  }
0x3b: {  	_ = 	snop  }
0x3c: {  	p2 =	seq.s32 s10, $0x1;
	s10 =	sld [smem:$0x3FB0]  }
0x3d: {  	_ =	shalt  }
0x3e: {  	_ =	shalt  }
0x3f: {  	_ =	shalt  }
0x40: {  	_ =	shalt  }
0x41: {  	_ =	shalt  }
0x42: {  	_ =	shalt  }
0x43: {  	_ =	shalt  }
0x44: {  	_ =	shalt  }
0x45: {  	_ =	shalt  }
0x46: {  	_ =	shalt  }
0x47: {  	_ =	shalt  }
0x48: {  	_ =	shalt  }
0x49: {  	_ =	shalt  }
0x4a: {  	_ =	shalt  }
0x4b: {  	_ =	shalt  }
0x4c: {  	_ =	shalt  }
0x4d: {  	_ =	shalt  }
0x4e: {  	_ =	shalt  }
0x4f: {  	_ =	shalt  }
0x50: {  	_ =	shalt  }
0x51: {  	_ =	shalt  }
0x52: {  	_ =	shalt  }
0x53: {  	_ =	shalt  }
0x54: {  	_ =	shalt  }
0x55: {  	_ =	shalt  }
0x56: {  	_ =	shalt  }
0x57: {  	_ =	shalt  }
0x58: {  	_ =	shalt  }
0x59: {  	_ =	shalt  }
0x5a: {  	_ =	shalt  }
0x5b: {  	_ =	shalt  }
0x5c: {  	_ =	shalt  }
0x5d: {  	_ =	shalt  }
0x5e: {  	_ =	shalt  }
0x5f: {  	_ =	shalt  }
0x60: {  	_ =	shalt  }
0x61: {  	_ =	shalt  }
0x62: {  	_ =	shalt  }
0x63: {  	_ =	shalt  }
0x64: {  	_ =	shalt  }
0x65: {  	_ =	shalt  }
0x66: {  	_ =	shalt  }
0x67: {  	_ =	shalt  }
0x68: {  	_ =	shalt  }
0x69: {  	_ =	shalt  }
0x6a: {  	_ =	shalt  }
0x6b: {  	_ =	shalt  }
0x6c: {  	_ =	shalt  }
0x6d: {  	_ =	shalt  }
0x6e: {  	_ =	shalt  }
0x6f: {  	_ =	shalt  }
0x70: {  	_ =	shalt  }
0x71: {  	_ =	shalt  }
0x72: {  	_ =	shalt  }
0x73: {  	_ =	shalt  }
0x74: {  	_ =	shalt  }
0x75: {  	_ =	shalt  }
0x76: {  	_ =	shalt  }
0x77: {  	_ =	shalt  }
0x78: {  	_ =	shalt  }
0x79: {  	_ =	shalt  }
0x7a: {  	_ =	shalt  }
0x7b: {  	_ =	shalt  }
0x7c: {  	_ =	shalt  }
0x7d: {  	_ =	shalt  }
0x7e: {  	_ =	shalt  }
0x7f: {  	_ =	shalt  }
0x80: {  	_ =	shalt  }
0x81: {  	_ =	shalt  }
0x82: {  	_ =	shalt  }
0x83: {  	_ =	shalt  }
0x84: {  	_ =	shalt  }
0x85: {  	_ =	shalt  }
0x86: {  	_ =	shalt  }
0x87: {  	_ =	shalt  }
.Lfunc_end0:
.L_simem_size_0:
called_computation_lowered:
.L_overlay_start_0:
0x88: {  	s2 =	sld [smem:$0x3FD9]  }
0x89: {  	s3 =	sld [smem:$0x3FFE];
	_ =	sdelay $0x1  }
0x8a: {  	s1 =	srdreg.scid  }
0x8b: {  	s0 =	sand.u32 $0x1, s1  }
0x8c: {  	s17 =	sshll.u32 s0, $0xA;
	s2 =	sadd.s32 s3, s2  }
0x8d: {  	s2 =	sadd.s32 s2, s17  }
0x8e: {  	[smem:$0x3FBC] =	sst s2  }
0x8f: {  	_ = 	snop  }
0x90: {  	s2 =	sld [smem:$0x3FC9]  }
0x91: {  	s18 =	sld [smem:$0x3FD0];
	(tm) =	ssettm $0x1  }
0x92: {  	s4 =	sld [smem:$0x3FFB];
	_ =	sdelay $0x3  }
0x93: {  	_ =	strace s4  }
0x94: {  	s4 =	sld [smem:$0x3FFC];
	_ =	sdelay $0x3  }
0x95: {  	_ =	strace s4  }
0x96: {  	s4 =	sld [smem:$0x3FFD];
	_ =	sdelay $0x3  }
0x97: {  	_ =	strace s4  }
0x98: {  	_ =	strace $0x8FFFFFFF  }
0x99: {  	s19 =	sld [smem:$0x3FDB];
	_ =	sdelay $0x1  }
0x9a: {  	s5 =	simm.s32 $_scs_section_size  }
0x9b: {  	s6 =	simm.s32 $_size__tile_overlayer_lowered;
	s7 =	simm.s32 $_tile_overlayer_lowered  }
0x9c: {  	s22 =	simm.s32 $0x1BFF;
	s21 =	sshll.u32 s7, $0x1;
	s4 =	sadd.s32 s5, s19  }
0x9d: {  	s8 =	simm.s32 $0x0;
	s20 =	sshll.u32 s6, $0x1;
	s6 =	sadd.s32 s21, s4  }
0x9e: {  	[timem:s8], [sflag:s22] =	dma.local [hbm:s6], s20  }
0x9f: {  	_ =	swait.ge [sflag:s22], s20  }
0xa0: {  	s5 =	ssub.s32 $0x0, s20;
	[sflag:s22] =	ssyncset.done $0x0  }
0xa1: {  	[sflag:s22] =	ssyncadd.s32 s5;
	_ =	sdelay $0x1  }
0xa2: {  	s23 =	simm.s32 $0x1B8B  }
0xa3: {  	_ =	swait.ge [sflag:s23], $0x1  }
0xa4: {  	[sflag:s23] =	ssyncset.done $0x0  }
0xa5: {  	s25 =	simm.s32 $0x1B8E;
	s24 =	sld [smem:$0x3FFE];
	[sflag:s23] =	ssyncadd.s32 $0xFFFFFFFF  }
0xa6: {  	s26 =	simm.s32 $execute0_lowered;
	[smem:$0x3FD2] =	sst s25  }
0xa7: {  	s6 =	sshll.u32 s26, $0x1;
	_ =	strace $0x80000046;
	[dreg:$0x1] =	wrdreg $0xFFFFFFFF  }
0xa8: {  	s28 =	simm.s32 $_size_execute0_lowered;
	s4 =	sadd.s32 s4, s6;
	[dreg:$0x0] =	wrdreg $0x0  }
0xa9: {  	s6 =	sshll.u32 s28, $0x1;
	[dreg:$0x2] =	wrdreg s4  }
0xaa: {  	[dreg:$0x3] =	wrdreg s6  }
0xab: {  	[dreg:$0x4] =	wrdreg $0xC0  }
0xac: {  	_ =	task [dreg:s8], $0x5FFFF  }
0xad: {  	[dreg:$0x1] =	wrdreg $0xFFFFFFFF  }
0xae: {  	[dreg:$0x0] =	wrdreg $0x60  }
0xaf: {  	[dreg:$0x2] =	wrdreg s2  }
0xb0: {  	[dreg:$0x3] =	wrdreg s24  }
0xb1: {  	[dreg:$0x4] =	wrdreg s18  }
0xb2: {  	[dreg:$0x5] =	wrdreg $0x69000  }
0xb3: {  	[dreg:$0x6] =	wrdreg $0x9  }
0xb4: {  	_ =	task.clear_ibuf [dreg:s8], $0x7FFFF;
	_ =	strace $0x90000046  }
0xb5: {  	s29 =	simm.s32 $0x9;
	_ =	strace $0x80000048  }
0xb6: {  	_ =	swait.ge [sflag:s29], $0x1  }
0xb7: {  	[sflag:s29] =	ssyncadd.s32 $0xFFFFFFFF  }
0xb8: {  	_ =	strace $0x90000048  }
0xb9: {  	_ =	sfence  }
0xba: {  	s30 =	sld [smem:$0x0];
	_ =	sdelay $0x2  }
0xbb: {  	s31 =	sshll.u32 s1, $0xD;
	s1 =	sshrl.u32 s1, $0x2  }
0xbc: {  	s3 =	sand.u32 $0x4000, s31;
	s1 =	sadd.s32 s1, s30  }
0xbd: {  	s0 =	sor.u32 s3, s0;
	s1 =	sshll.u32 s1, $0x11  }
0xbe: {  	s0 =	sor.u32 s1, s0  }
0xbf: {  	s0 =	sadd.s32 $0x8F2B, s0  }
0xc0: {  	[sflag:s0] =	ssyncadd.remote.s32 $0x1  }
0xc1: {  	_ =	sfence.sel $0xFFFF  }
0xc2: {  	[dreg:$0x0] =	wrdreg $0xFFFFFFFF;
	(pc) =	sbr.abs _section_cstart, $3  }
0xc3: {  	[dreg:$0x1] =	wrdreg $0xFFFFFFFF  }
0xc4: {  	_ =	task.clear_ibuf [dreg:s8], $0x2FFFF;
	_ =	strace $0x9FFFFFFF  }
0xc5: {  	(tm) =	ssettm $0x7FFFFFFF  }
tec
execute0_lowered:
.L_overlay_start_1:
0x0: {  	(tag) =	ssettag $0x1  }
0x1: {  	s1 =	rddreg [dreg:$0x0]  }
0x2: {  	s5 =	rddreg [dreg:$0x1]  }
0x3: {  	s11 =	rddreg [dreg:$0x2]  }
0x4: {  	s0 =	srdreg.scid;
	s3 =	rddreg [dreg:$0x3]  }
0x5: {  	s2 =	rddreg [dreg:$0x4];
	s4 =	simm.s32 $0x0;
	s15 =	simm.s32 $0x2900  }
0x6: {  	s16 =	simm.s32 $0x2;
	s17 =	simm.s32 $0x80;
	s6 =	sand.u32 $0x1, s0  }
0x7: {  	s18 =	simm.s32 $0x50;
	s0 =	stileid.u32;
	s7 =	smul.u32 $0x27100, s6  }
0x8: {  	s19 =	simm.s32 $0x100;
	s20 =	simm.s32 $0x1A900;
	s8 =	smul.u32 $0x2710, s0  }
0x9: {  	s21 =	simm.s32 $0x1;
	[smem:$0x7FF] =	sst s4;
	s9 =	smul.u32 $0x140000, s6  }
0xa: {  	s22 =	simm.s32 $0x0;
	s10 =	smul.u32 $0x14000, s0;
	_ =	strace $0x80000047  }
0xb: {  	s25 =	smul.u32 $0x50000, s0;
	s28 =	ssub.s32 $0x2, s6;
	s6 =	sshll.u32 s6, $0x4  }
0xc: {  	s29 =	sshrl.u32 s28, $0x1;
	s31 =	sor.u32 s0, s6;
	s7 =	sadd.s32 s8, s7  }
0xd: {  	s24 =	sadd.s32 s10, s9;
	s30 =	sshrl.u32 s25, $0x2;
	s12 =	ssub.s32 s28, s29  }
0xe: {  	s13 =	smul.u32 $0x500, s31;
	s7 =	sshrl.u32 s7, $0x3;
	s8 =	sshrl.u32 s24, $0x3  }
0xf: {  	s14 =	sadd.s32 s7, s5;
	s26 =	sadd.s32 s8, s5;
	s5 =	sadd.s32 s30, s3  }
0x10: {  	s12 =	smax.u32 s12, $0x1;
	s11 =	sadd.s32 s11, s13;
	s6 =	sadd.s32 $0x4000, s5  }
0x11: {  	s7 =	sadd.s32 $0x8000, s5;
	s8 =	sadd.s32 $0xC000, s5;
	s9 =	sadd.s32 $0x10000, s5  }
0x12: {  	v0 =	vimm.f32 $0.0e+00;
	s10 =	sadd.s32 $0x16800, s26;
	s13 =	sadd.s32 $0x2C00, s14;
	s14 =	sadd.s32 $0xCA00, s14  }
.LBB2_1:
0x13: {  	s23 =	simm.s32 $0x0;
	s24 =	simm.s32 $0x200  }
.LBB2_2:
0x14: {  	p0 =	sne.s32 s24, $0xFE00;
	[tilespmem:s23+$0x2970] =	vst v0  }
0x15: {  	[tilespmem:s23+$0x2900] =	vst v0  }
0x16: {  	[tilespmem:s23+$0x2910] =	vst v0  }
.Ltmp0:
0x17: {  	[tilespmem:s23+$0x2920] =	vst v0;
	(pc) =	sbr.rel @p0 .LBB2_2-.Ltmp0, $4  }
0x18: {  	[tilespmem:s23+$0x2930] =	vst v0  }
0x19: {  	[tilespmem:s23+$0x2940] =	vst v0  }
0x1a: {  	[tilespmem:s23+$0x2950] =	vst v0  }
0x1b: {  	[tilespmem:s23+$0x2960] =	vst v0;
	s23 =	sshra.s32 s24, $0x2;
	s24 =	sadd.s32 $0x200, s24  }
0x1c: {  	[tilespmem:s23+$0x2970] =	vst v0  }
0x1d: {  	[tilespmem:s23+$0x2900] =	vst v0  }
0x1e: {  	[tilespmem:s23+$0x2910] =	vst v0  }
0x1f: {  	[tilespmem:s23+$0x2920] =	vst v0  }
0x20: {  	[tilespmem:s23+$0x2930] =	vst v0  }
0x21: {  	[tilespmem:s23+$0x2940] =	vst v0  }
0x22: {  	[tilespmem:s23+$0x2950] =	vst v0  }
0x23: {  	[tilespmem:s23+$0x2960] =	vst v0  }
0x24: {  	[spmem:s5] =	stream.linear.scatter [tilespmem:s15], [sflag:$0x2], $0x4000, $0x38;
	[tilespmem:$0x1D100] =	vst v63  }
0x25: {  	_ =	swait.ge [sflag:s16], $0x4000  }
0x26: {  	[sflag:s16] =	ssyncset.done $0x0  }
0x27: {  	[sflag:s16] =	ssyncadd.s32 $0xFFFFC000  }
0x28: {  	[spmem:s6] =	stream.linear.scatter [tilespmem:s15], [sflag:$0x2], $0x4000, $0x38;
	[tilespmem:$0x1D100] =	vst v63  }
0x29: {  	_ =	swait.ge [sflag:s16], $0x4000  }
0x2a: {  	[sflag:s16] =	ssyncset.done $0x0  }
0x2b: {  	[sflag:s16] =	ssyncadd.s32 $0xFFFFC000  }
0x2c: {  	[spmem:s7] =	stream.linear.scatter [tilespmem:s15], [sflag:$0x2], $0x4000, $0x38;
	[tilespmem:$0x1D100] =	vst v63  }
0x2d: {  	_ =	swait.ge [sflag:s16], $0x4000  }
0x2e: {  	[sflag:s16] =	ssyncset.done $0x0  }
0x2f: {  	[sflag:s16] =	ssyncadd.s32 $0xFFFFC000  }
0x30: {  	[spmem:s8] =	stream.linear.scatter [tilespmem:s15], [sflag:$0x2], $0x4000, $0x38;
	[tilespmem:$0x1D100] =	vst v63  }
0x31: {  	_ =	swait.ge [sflag:s16], $0x4000  }
0x32: {  	[sflag:s16] =	ssyncset.done $0x0  }
0x33: {  	[sflag:s16] =	ssyncadd.s32 $0xFFFFC000  }
0x34: {  	[spmem:s9] =	stream.linear.scatter [tilespmem:s15], [sflag:$0x2], $0x4000, $0x38;
	[tilespmem:$0x1D100] =	vst v63  }
0x35: {  	_ =	swait.ge [sflag:s16], $0x4000  }
0x36: {  	[sflag:s16] =	ssyncset.done $0x0  }
0x37: {  	s23 =	simm.s32 $0x40;
	s24 =	simm.s32 $0x0;
	[sflag:s16] =	ssyncadd.s32 $0xFFFFC000  }
.LBB2_4:
0x38: {  	p0 =	sne.s32 s23, $0x9FC0;
	[tilespmem:s24+$0x1A900] =	vst v0;
	s24 =	smov.u32 s23;
	s23 =	sadd.s32 $0x40, s23  }
.Ltmp1:
0x39: {  	(pc) =	sbr.rel @p0 .LBB2_4-.Ltmp1, $2  }
0x3a: {  	_ =	sdelay $0x2  }
0x3b: {  	s24 =	sshra.s32 s24, $0x2  }
0x3c: {  	[tilespmem:s24+$0x1A900] =	vst v0  }
0x3d: {  	s23 =	simm.s32 $0x0;
	[bflag:$0x0] =	sbarrier.arrive $0xFFFF  }
.LBB2_6:
0x3e: {  	s24 =	sadd.s32 s23, s14  }
0x3f: {  	[tilespmem:s4], [sflag:$0x2] =	stream.linear.gather [hbm4b:s24+s4], $0x50, $0x38;
	[tilespmem:$0x1D100] =	vst v63  }
0x40: {  	_ =	swait.ge [sflag:s16], $0x50  }
0x41: {  	[sflag:s16] =	ssyncset.done $0x0  }
0x42: {  	s31 =	sadd.s32 s23, s13;
	[sflag:s16] =	ssyncadd.s32 $0xFFFFFFB0  }
0x43: {  	[tilespmem:s17], [sflag:$0x2] =	stream.linear.gather [hbm4b:s31+s4], $0x50, $0x38;
	[tilespmem:$0x1D100] =	vst v63  }
0x44: {  	_ =	swait.ge [sflag:s16], $0x50  }
0x45: {  	[sflag:s16] =	ssyncset.done $0x0  }
0x46: {  	[sflag:s16] =	ssyncadd.s32 $0xFFFFFFB0  }
0x47: {  	[tilespmem:s19], [sflag:$0x1] =	stream.indirect.gather [hbm4b:s1+s18], $0x80, s4, s18, $0xb8;
	[tilespmem:$0x1D100] =	vst v63  }
0x48: {  	v1 =	vld [tilespmem:$0x80];
	_ =	sdelay $0x4  }
0x49: {  	(xrf1) =	vunique.msk.u32 $0xffff, v1;
	_ =	sdelay $0xd  }
0x4a: {  	_, v2, vm0 =	vpop (xrf1);
	_ =	sdelay $0x3  }
0x4b: {  	v2 =	vcvt.s32.f32 v2;
	_ =	sdelay $0x1  }
0x4c: {  	[tilespmem:v1+s20+$0x0] =	vst.idx.add.f32.msk vm0, v2  }
0x4d: {  	v1 =	vld [tilespmem:$0x90];
	_ =	sdelay $0x4  }
0x4e: {  	(xrf1) =	vunique.msk.u32 $0xffff, v1;
	_ =	sdelay $0xd  }
0x4f: {  	_, v2, vm0 =	vpop (xrf1);
	_ =	sdelay $0x3  }
0x50: {  	v2 =	vcvt.s32.f32 v2;
	_ =	sdelay $0x1  }
0x51: {  	[tilespmem:v1+s20+$0x0] =	vst.idx.add.f32.msk vm0, v2  }
0x52: {  	v1 =	vld [tilespmem:$0xA0];
	_ =	sdelay $0x4  }
0x53: {  	(xrf1) =	vunique.msk.u32 $0xffff, v1;
	_ =	sdelay $0xd  }
0x54: {  	_, v2, vm0 =	vpop (xrf1);
	_ =	sdelay $0x3  }
0x55: {  	v2 =	vcvt.s32.f32 v2;
	_ =	sdelay $0x1  }
0x56: {  	[tilespmem:v1+s20+$0x0] =	vst.idx.add.f32.msk vm0, v2  }
0x57: {  	v1 =	vld [tilespmem:$0xB0];
	_ =	sdelay $0x4  }
0x58: {  	(xrf1) =	vunique.msk.u32 $0xffff, v1;
	_ =	sdelay $0xd  }
0x59: {  	_, v2, vm0 =	vpop (xrf1);
	_ =	sdelay $0x3  }
0x5a: {  	v2 =	vcvt.s32.f32 v2;
	_ =	sdelay $0x1  }
0x5b: {  	[tilespmem:v1+s20+$0x0] =	vst.idx.add.f32.msk vm0, v2  }
0x5c: {  	v1 =	vld [tilespmem:$0xC0];
	_ =	sdelay $0x4  }
0x5d: {  	(xrf1) =	vunique.msk.u32 $0xffff, v1;
	_ =	sdelay $0xd  }
0x5e: {  	_, v2, vm0 =	vpop (xrf1);
	_ =	sdelay $0x3  }
0x5f: {  	v2 =	vcvt.s32.f32 v2;
	_ =	sdelay $0x1  }
0x60: {  	[tilespmem:v1+s20+$0x0] =	vst.idx.add.f32.msk vm0, v2  }
0x61: {  	_ =	swait.ge [sflag:s21], $0x2800  }
0x62: {  	p0 =	sne.s32 s23, $0x4D8;
	[sflag:s21] =	ssyncset.done $0x0  }
.Ltmp2:
0x63: {  	[sflag:s21] =	ssyncadd.s32 $0xFFFFD800;
	(pc) =	sbr.rel @p0 .LBB2_6-.Ltmp2, $4  }
0x64: {  	[spmem:s3] =	stream.indirect.scatter.add.f32 [tilespmem:s19], [sflag:$0x2], $0x80, s17, s18, $0xb8;
	[tilespmem:$0x1D100] =	vst v63  }
0x65: {  	_ =	swait.ge [sflag:s16], $0x2800  }
0x66: {  	[sflag:s16] =	ssyncset.done $0x0  }
0x67: {  	s23 =	sadd.s32 $0xA, s23;
	[sflag:s16] =	ssyncadd.s32 $0xFFFFD800  }
0x68: {  	s23 =	sshll.u32 s0, $0x6  }
0x69: {  	[bflag:$0x0] =	sbarrier.arrive $0xFFFF;
	s24 =	sshrl.u32 s5, $0x3;
	s23 =	sor.u32 $0x1C02, s23  }
0x6a: {  	[hbm:s10], [sflag:s23] =	dma.local [spmem:s24], $0x2800  }
0x6b: {  	s22 =	sadd.s32 $0x1, s22;
	_ =	swait.ge [sflag:s16], $0x2800  }
0x6c: {  	p0 =	sne.s32 s22, s12;
	[sflag:s16] =	ssyncset.done $0x0  }
.Ltmp3:
0x6d: {  	[sflag:s16] =	ssyncadd.s32 $0xFFFFD800;
	(pc) =	sbr.rel @p0 .LBB2_1-.Ltmp3, $4  }
0x6e: {  	[hbm4b:s11+s4] =	stream.linear.scatter [tilespmem:s20], [sflag:$0x2], $0x2800, $0x38;
	[tilespmem:$0x1D100] =	vst v63  }
0x6f: {  	_ =	swait.ge [sflag:s16], $0x2800  }
0x70: {  	[sflag:s16] =	ssyncset.done $0x0  }
0x71: {  	[sflag:s16] =	ssyncadd.s32 $0xFFFFD800  }
0x72: {  	_ =	sfence.sel $0x180000  }
0x73: {  	[bflag:$0x0] =	sbarrier.arrive $0xFFFF  }
0x74: {  	p0 =	sne.s32 s0, $0x0;
	_ =	strace $0x90000047  }
0x75: {  	s0 =	sadd.s32 @!p0 $0x100000, s2;
	[bflag:$0x2] =	sbarrier.arrive $0xFFFF  }
0x76: {  	[sflag:s0] =	ssyncadd.tile.s32 @!p0 $0x1;
	_ =	shalt  }
.Lfunc_end2:
_tile_overlayer_lowered:
.L_overlay_start_2:
0x77: {  	(tag) =	ssettag $0x2  }
0x78: {  	s0 =	rddreg [dreg:$0x0];
	s2 =	stileid.u32  }
0x79: {  	s1 =	rddreg [dreg:$0x1];
	p0 =	sne.s32 s2, $0x0  }
0x7a: {  	s3 =	rddreg [dreg:$0x2];
	[bflag:$0x3] =	sbarrier.arrive $0xFFFF;
	s2 =	simm.s32 @!p0 $0x1C02  }
0x7b: {  	[timem:s3], [sflag:s2] =	dma.local @!p0 [hbm:s0], s1  }
0x7c: {  	s0 =	simm.s32 @!p0 $0x2  }
0x7d: {  	_ =	swait.ge @!p0 [sflag:s0], s1  }
0x7e: {  	s1 =	ssub.s32 @!p0 $0x0, s1;
	[sflag:s0] =	ssyncset.done @!p0 $0x0  }
0x7f: {  	[sflag:s0] =	ssyncadd.s32 @!p0 s1  }
0x80: {  	[bflag:$0x3] =	sbarrier.arrive $0xFFFF  }
0x81: {  	_ =	shalt  }

// kernel: kernel.9.cloned.1.call-start
scs
__scs_entry_jumppad:
0x0: {  	(pc) =	sbr.rel $0x88, $3  }
0x1: {  	(tag) =	ssettag $0x0;
	lr =	simm.s32 $0x1  }
0x2: {  	[smem:$0x3F95] =	sst lr;
	_ =	strace $0xD0000000  }
0x3: {  	_ = 	snop  }
0x4: {  	_ = 	snop  }
0x5: {  	_ = 	snop  }
0x6: {  	_ = 	snop  }
0x7: {  	_ = 	snop  }
__scs_overlays_trampoline_lowered:
0x8: {  	[smem:$0x3FA4] =	sst s0  }
0x9: {  	[smem:$0x3FA5] =	sst s1  }
0xa: {  	[smem:$0x3FA6] =	sst s2  }
0xb: {  	[smem:$0x3FA7] =	sst s3  }
0xc: {  	[smem:$0x3FA8] =	sst s4  }
0xd: {  	[smem:$0x3FA9] =	sst s5  }
0xe: {  	[smem:$0x3FAA] =	sst s6  }
0xf: {  	[smem:$0x3FAB] =	sst s7  }
0x10: {  	[smem:$0x3FAC] =	sst s8  }
0x11: {  	[smem:$0x3FAD] =	sst s9;
	s0 =	simm.s32 @!p0 $0x0  }
0x12: {  	s1 =	sld [smem:$0x3F93];
	s0 =	simm.s32 @p0 $0x1  }
0x13: {  	[smem:$0x3FAE] =	sst s0;
	s0 =	simm.s32 @!p1 $0x0  }
0x14: {  	s2 =	sld [smem:$0x3F92];
	s0 =	simm.s32 @p1 $0x1  }
0x15: {  	[smem:$0x3FAF] =	sst s0;
	s0 =	simm.s32 @!p2 $0x0  }
0x16: {  	s3 =	sld [smem:$0x3FDB];
	s0 =	simm.s32 @p2 $0x1  }
0x17: {  	s4 =	simm.s32 $0x1BF5;
	[smem:$0x3FB1] =	sst s0  }
0x18: {  	s0 =	sld [smem:$0x3F94];
	_ =	swait.ge [sflag:s4], $0x0  }
0x19: {  	s7 =	sld [smem:$0x3F95]  }
0x1a: {  	s8 =	sadd.s32 $0xFFFFE003, lr  }
0x1b: {  	s9 =	sadd.s32 $0xFFFFFEF7, lr;
	s5 =	simm.s32 $0xFFFFFFFF;
	p2 =	slt.u32 s8, $0xFFFFF086  }
0x1c: {  	p1 =	slt.u32 s9, $0xF7A;
	s5 =	simm.s32 @!p2 $0x0  }
0x1d: {  	s5 =	simm.s32 @p1 $0x1;
	p0 =	seq.s32 s7, s2  }
0x1e: {  	s7 =	smul.u32 @!p0 $0xF7A, s2;
	p2 =	seq.s32 @!p0 s5, $0x0  }
0x1f: {  	s9 =	smul.u32 $0xF7A, s1;
	s8 =	simm.s32 @!p0 $0x1BF5;
	p2 =	por !p2, p0  }
0x20: {  	[sflag:s8] =	ssyncset.s32 @!p0 $0xFFFFF086;
	s6 =	sadd.s32 @!p0 s3, s7;
	s7 =	simm.s32 @!p0 $0x108  }
0x21: {  	s3 =	sadd.s32 s3, s9;
	s6 =	sadd.s32 @!p0 $0x88, s6;
	s7 =	simm.s32 @p2 $0x1082  }
0x22: {  	[simem:s7], [sflag:s8] =	dma.local @!p0 [hbm:s6], $0xF7A  }
0x23: {  	s9 =	sor.u32 $0xD0000000, s2;
	s6 =	simm.s32 $0x108;
	_ =	swait.ge @!p0 [sflag:s8], $0x0  }
0x24: {  	s3 =	sadd.s32 $0x88, s3;
	s6 =	simm.s32 @!p1 $0x1082;
	[sflag:s4] =	ssyncset.s32 $0xFFFFF086  }
0x25: {  	[simem:s6], [sflag:s4] =	dma.local [hbm:s3], $0xF7A  }
0x26: {  	[smem:$0x3F95] =	sst s1;
	(tag) =	ssettag s2;
	_ =	strace s9  }
0x27: {  	s1 =	sld [smem:$0x3FA5]  }
0x28: {  	s2 =	sld [smem:$0x3FA6]  }
0x29: {  	s4 =	sld [smem:$0x3FA8]  }
0x2a: {  	p0 =	seq.s32 s5, $0x0;
	s5 =	sld [smem:$0x3FA9]  }
0x2b: {  	s6 =	sld [smem:$0x3FAA]  }
0x2c: {  	s7 =	sld [smem:$0x3FAB]  }
0x2d: {  	s3 =	simm.s32 $0x108;
	s8 =	sld [smem:$0x3FAC]  }
0x2e: {  	s3 =	simm.s32 @!p0 $0x1082;
	s9 =	sld [smem:$0x3FAD]  }
0x2f: {  	lr =	sadd.s32 s0, s3;
	s0 =	sld [smem:$0x3FA4]  }
0x30: {  	s3 =	sld [smem:$0x3FA7]  }
0x31: {  	[smem:$0x3FB0] =	sst s10  }
0x32: {  	s10 =	sld [smem:$0x3FAE];
	_ =	sdelay $0x3  }
0x33: {  	p0 =	seq.s32 s10, $0x1;
	s10 =	sld [smem:$0x3FB0];
	_ =	sdelay $0x3  }
0x34: {  	[smem:$0x3FB0] =	sst s10  }
0x35: {  	s10 =	sld [smem:$0x3FAF];
	_ =	sdelay $0x3  }
0x36: {  	p1 =	seq.s32 s10, $0x1;
	s10 =	sld [smem:$0x3FB0];
	_ =	sdelay $0x3  }
0x37: {  	[smem:$0x3FB0] =	sst s10  }
0x38: {  	s10 =	sld [smem:$0x3FB1]  }
0x39: {  	_ = 	snop;
	(pc) =	sbr.ind lr, $3  }
0x3a: {  	_ = 	snop  }
0x3b: {  	_ = 	snop  }
0x3c: {  	p2 =	seq.s32 s10, $0x1;
	s10 =	sld [smem:$0x3FB0]  }
0x3d: {  	_ =	shalt  }
0x3e: {  	_ =	shalt  }
0x3f: {  	_ =	shalt  }
0x40: {  	_ =	shalt  }
0x41: {  	_ =	shalt  }
0x42: {  	_ =	shalt  }
0x43: {  	_ =	shalt  }
0x44: {  	_ =	shalt  }
0x45: {  	_ =	shalt  }
0x46: {  	_ =	shalt  }
0x47: {  	_ =	shalt  }
0x48: {  	_ =	shalt  }
0x49: {  	_ =	shalt  }
0x4a: {  	_ =	shalt  }
0x4b: {  	_ =	shalt  }
0x4c: {  	_ =	shalt  }
0x4d: {  	_ =	shalt  }
0x4e: {  	_ =	shalt  }
0x4f: {  	_ =	shalt  }
0x50: {  	_ =	shalt  }
0x51: {  	_ =	shalt  }
0x52: {  	_ =	shalt  }
0x53: {  	_ =	shalt  }
0x54: {  	_ =	shalt  }
0x55: {  	_ =	shalt  }
0x56: {  	_ =	shalt  }
0x57: {  	_ =	shalt  }
0x58: {  	_ =	shalt  }
0x59: {  	_ =	shalt  }
0x5a: {  	_ =	shalt  }
0x5b: {  	_ =	shalt  }
0x5c: {  	_ =	shalt  }
0x5d: {  	_ =	shalt  }
0x5e: {  	_ =	shalt  }
0x5f: {  	_ =	shalt  }
0x60: {  	_ =	shalt  }
0x61: {  	_ =	shalt  }
0x62: {  	_ =	shalt  }
0x63: {  	_ =	shalt  }
0x64: {  	_ =	shalt  }
0x65: {  	_ =	shalt  }
0x66: {  	_ =	shalt  }
0x67: {  	_ =	shalt  }
0x68: {  	_ =	shalt  }
0x69: {  	_ =	shalt  }
0x6a: {  	_ =	shalt  }
0x6b: {  	_ =	shalt  }
0x6c: {  	_ =	shalt  }
0x6d: {  	_ =	shalt  }
0x6e: {  	_ =	shalt  }
0x6f: {  	_ =	shalt  }
0x70: {  	_ =	shalt  }
0x71: {  	_ =	shalt  }
0x72: {  	_ =	shalt  }
0x73: {  	_ =	shalt  }
0x74: {  	_ =	shalt  }
0x75: {  	_ =	shalt  }
0x76: {  	_ =	shalt  }
0x77: {  	_ =	shalt  }
0x78: {  	_ =	shalt  }
0x79: {  	_ =	shalt  }
0x7a: {  	_ =	shalt  }
0x7b: {  	_ =	shalt  }
0x7c: {  	_ =	shalt  }
0x7d: {  	_ =	shalt  }
0x7e: {  	_ =	shalt  }
0x7f: {  	_ =	shalt  }
0x80: {  	_ =	shalt  }
0x81: {  	_ =	shalt  }
0x82: {  	_ =	shalt  }
0x83: {  	_ =	shalt  }
0x84: {  	_ =	shalt  }
0x85: {  	_ =	shalt  }
0x86: {  	_ =	shalt  }
0x87: {  	_ =	shalt  }
.Lfunc_end0:
.L_simem_size_0:
called_computation.1_lowered:
.L_overlay_start_0:
0x88: {  	s2 =	sld [smem:$0x3FD9]  }
0x89: {  	s3 =	sld [smem:$0x3FFE];
	_ =	sdelay $0x1  }
0x8a: {  	s1 =	srdreg.scid  }
0x8b: {  	s0 =	sand.u32 $0x1, s1  }
0x8c: {  	s16 =	sshll.u32 s0, $0xA;
	s2 =	sadd.s32 s3, s2  }
0x8d: {  	s2 =	sadd.s32 s2, s16  }
0x8e: {  	[smem:$0x3FBC] =	sst s2  }
0x8f: {  	_ = 	snop  }
0x90: {  	(tm) =	ssettm $0x1  }
0x91: {  	s17 =	sld [smem:$0x3FFB];
	_ =	sdelay $0x3  }
0x92: {  	_ =	strace s17  }
0x93: {  	s2 =	sld [smem:$0x3FFC];
	_ =	sdelay $0x3  }
0x94: {  	_ =	strace s2  }
0x95: {  	s2 =	sld [smem:$0x3FFD];
	_ =	sdelay $0x3  }
0x96: {  	_ =	strace s2  }
0x97: {  	_ =	strace $0x8FFFFFFF  }
0x98: {  	s18 =	sld [smem:$0x3FDB];
	_ =	sdelay $0x1  }
0x99: {  	s19 =	simm.s32 $_scs_section_size  }
0x9a: {  	s4 =	simm.s32 $_size__tile_overlayer_lowered;
	s5 =	simm.s32 $_tile_overlayer_lowered  }
0x9b: {  	s22 =	simm.s32 $0x1BFF;
	s21 =	sshll.u32 s5, $0x1;
	s2 =	sadd.s32 s19, s18  }
0x9c: {  	s6 =	simm.s32 $0x0;
	s20 =	sshll.u32 s4, $0x1;
	s4 =	sadd.s32 s21, s2  }
0x9d: {  	[timem:s6], [sflag:s22] =	dma.local [hbm:s4], s20  }
0x9e: {  	_ =	swait.ge [sflag:s22], s20  }
0x9f: {  	s3 =	ssub.s32 $0x0, s20;
	[sflag:s22] =	ssyncset.done $0x0  }
0xa0: {  	[sflag:s22] =	ssyncadd.s32 s3;
	_ =	sdelay $0x1  }
0xa1: {  	s23 =	simm.s32 $0x1B8B  }
0xa2: {  	_ =	swait.ge [sflag:s23], $0x1  }
0xa3: {  	[sflag:s23] =	ssyncset.done $0x0  }
0xa4: {  	s25 =	simm.s32 $0x1B8E;
	s24 =	sld [smem:$0x3FFE];
	[sflag:s23] =	ssyncadd.s32 $0xFFFFFFFF  }
0xa5: {  	s26 =	simm.s32 $execute0_lowered;
	[smem:$0x3FD2] =	sst s25  }
0xa6: {  	s4 =	sshll.u32 s26, $0x1;
	_ =	strace $0x80000049;
	[dreg:$0x1] =	wrdreg $0xFFFFFFFF  }
0xa7: {  	s28 =	simm.s32 $_size_execute0_lowered;
	s2 =	sadd.s32 s2, s4;
	[dreg:$0x0] =	wrdreg $0x0  }
0xa8: {  	s4 =	sshll.u32 s28, $0x1;
	[dreg:$0x2] =	wrdreg s2  }
0xa9: {  	[dreg:$0x3] =	wrdreg s4  }
0xaa: {  	[dreg:$0x4] =	wrdreg $0xC0  }
0xab: {  	_ =	task [dreg:s6], $0x5FFFF  }
0xac: {  	[dreg:$0x1] =	wrdreg $0xFFFFFFFF  }
0xad: {  	[dreg:$0x0] =	wrdreg $0x60  }
0xae: {  	[dreg:$0x2] =	wrdreg s24  }
0xaf: {  	[dreg:$0x3] =	wrdreg $0x69000  }
0xb0: {  	[dreg:$0x4] =	wrdreg $0x9  }
0xb1: {  	_ =	task.clear_ibuf [dreg:s6], $0x5FFFF;
	_ =	strace $0x90000049  }
0xb2: {  	s29 =	simm.s32 $0x9;
	_ =	strace $0x8000004B  }
0xb3: {  	_ =	swait.ge [sflag:s29], $0x1  }
0xb4: {  	[sflag:s29] =	ssyncadd.s32 $0xFFFFFFFF  }
0xb5: {  	_ =	strace $0x9000004B  }
0xb6: {  	_ =	sfence  }
0xb7: {  	s30 =	sld [smem:$0x0];
	_ =	sdelay $0x2  }
0xb8: {  	s31 =	sshll.u32 s1, $0xD;
	s1 =	sshrl.u32 s1, $0x2  }
0xb9: {  	s3 =	sand.u32 $0x4000, s31;
	s1 =	sadd.s32 s1, s30  }
0xba: {  	s0 =	sor.u32 s3, s0;
	s1 =	sshll.u32 s1, $0x11  }
0xbb: {  	s0 =	sor.u32 s1, s0  }
0xbc: {  	s0 =	sadd.s32 $0x8F2B, s0  }
0xbd: {  	[sflag:s0] =	ssyncadd.remote.s32 $0x1  }
0xbe: {  	_ =	sfence.sel $0xFFFF  }
0xbf: {  	[dreg:$0x0] =	wrdreg $0xFFFFFFFF;
	(pc) =	sbr.abs _section_cstart, $3  }
0xc0: {  	[dreg:$0x1] =	wrdreg $0xFFFFFFFF  }
0xc1: {  	_ =	task.clear_ibuf [dreg:s6], $0x2FFFF;
	_ =	strace $0x9FFFFFFF  }
0xc2: {  	(tm) =	ssettm $0x7FFFFFFF  }
0xc3: {  	_ =	shalt  }
tec
execute0_lowered:
.L_overlay_start_1:
0x0: {  	(tag) =	ssettag $0x1  }
0x1: {  	s5 =	rddreg [dreg:$0x0];
	s0 =	srdreg.scid  }
0x2: {  	s2 =	rddreg [dreg:$0x1];
	s1 =	stileid.u32;
	s3 =	simm.s32 $0x0  }
0x3: {  	s14 =	simm.s32 $0x2900;
	s15 =	simm.s32 $0x2;
	s16 =	simm.s32 $0x80  }
0x4: {  	s17 =	simm.s32 $0x50;
	s18 =	simm.s32 $0x100;
	s7 =	smul.u32 $0x2710, s1  }
0x5: {  	s19 =	simm.s32 $0x1;
	s22 =	simm.s32 $0x0;
	s9 =	smul.u32 $0x14000, s1  }
0x6: {  	s6 =	sand.u32 $0x1, s0;
	s0 =	rddreg [dreg:$0x2];
	s10 =	smul.u32 $0x50000, s1  }
0x7: {  	[smem:$0x7FF] =	sst s3;
	s20 =	sshll.u32 s1, $0x6;
	s4 =	smul.u32 $0x27100, s6  }
0x8: {  	s8 =	smul.u32 $0x140000, s6;
	_ =	strace $0x8000004A;
	s6 =	ssub.s32 $0x2, s6  }
0x9: {  	s20 =	sor.u32 $0x1C02, s20;
	s29 =	sshrl.u32 s6, $0x1;
	s7 =	sadd.s32 s7, s4  }
0xa: {  	s30 =	sshrl.u32 s10, $0x2;
	s28 =	sadd.s32 s9, s8;
	s7 =	sshrl.u32 s7, $0x3  }
0xb: {  	s11 =	ssub.s32 s6, s29;
	s13 =	sadd.s32 s7, s5;
	s7 =	sshrl.u32 s28, $0x3  }
0xc: {  	s4 =	sadd.s32 $0x16800, s5;
	s11 =	smax.u32 s11, $0x1;
	s31 =	sadd.s32 s7, s5  }
0xd: {  	s5 =	sadd.s32 s30, s2;
	s12 =	sadd.s32 $0x2C00, s13;
	s13 =	sadd.s32 $0xCA00, s13  }
0xe: {  	s6 =	sadd.s32 $0x4000, s5;
	s7 =	sadd.s32 $0x8000, s5;
	s8 =	sadd.s32 $0xC000, s5  }
0xf: {  	v0 =	vimm.f32 $0.0e+00;
	s9 =	sadd.s32 $0x10000, s5;
	s10 =	sadd.s32 $0x3E800, s31;
	s21 =	sshrl.u32 s5, $0x3  }
.LBB2_1:
0x10: {  	s23 =	simm.s32 $0x0;
	s24 =	simm.s32 $0x200  }
.LBB2_2:
0x11: {  	p0 =	sne.s32 s24, $0xFE00;
	[tilespmem:s23+$0x2970] =	vst v0  }
0x12: {  	[tilespmem:s23+$0x2900] =	vst v0  }
0x13: {  	[tilespmem:s23+$0x2910] =	vst v0  }
.Ltmp0:
0x14: {  	[tilespmem:s23+$0x2920] =	vst v0;
	(pc) =	sbr.rel @p0 .LBB2_2-.Ltmp0, $4  }
0x15: {  	[tilespmem:s23+$0x2930] =	vst v0  }
0x16: {  	[tilespmem:s23+$0x2940] =	vst v0  }
0x17: {  	[tilespmem:s23+$0x2950] =	vst v0  }
0x18: {  	[tilespmem:s23+$0x2960] =	vst v0;
	s23 =	sshra.s32 s24, $0x2;
	s24 =	sadd.s32 $0x200, s24  }
0x19: {  	[tilespmem:s23+$0x2970] =	vst v0  }
0x1a: {  	[tilespmem:s23+$0x2900] =	vst v0  }
0x1b: {  	[tilespmem:s23+$0x2910] =	vst v0  }
0x1c: {  	[tilespmem:s23+$0x2920] =	vst v0  }
0x1d: {  	[tilespmem:s23+$0x2930] =	vst v0  }
0x1e: {  	[tilespmem:s23+$0x2940] =	vst v0  }
0x1f: {  	[tilespmem:s23+$0x2950] =	vst v0  }
0x20: {  	[tilespmem:s23+$0x2960] =	vst v0  }
0x21: {  	[spmem:s5] =	stream.linear.scatter [tilespmem:s14], [sflag:$0x2], $0x4000, $0x38;
	[tilespmem:$0x1A900] =	vst v63  }
0x22: {  	_ =	swait.ge [sflag:s15], $0x4000  }
0x23: {  	[sflag:s15] =	ssyncset.done $0x0  }
0x24: {  	[sflag:s15] =	ssyncadd.s32 $0xFFFFC000  }
0x25: {  	[spmem:s6] =	stream.linear.scatter [tilespmem:s14], [sflag:$0x2], $0x4000, $0x38;
	[tilespmem:$0x1A900] =	vst v63  }
0x26: {  	_ =	swait.ge [sflag:s15], $0x4000  }
0x27: {  	[sflag:s15] =	ssyncset.done $0x0  }
0x28: {  	[sflag:s15] =	ssyncadd.s32 $0xFFFFC000  }
0x29: {  	[spmem:s7] =	stream.linear.scatter [tilespmem:s14], [sflag:$0x2], $0x4000, $0x38;
	[tilespmem:$0x1A900] =	vst v63  }
0x2a: {  	_ =	swait.ge [sflag:s15], $0x4000  }
0x2b: {  	[sflag:s15] =	ssyncset.done $0x0  }
0x2c: {  	[sflag:s15] =	ssyncadd.s32 $0xFFFFC000  }
0x2d: {  	[spmem:s8] =	stream.linear.scatter [tilespmem:s14], [sflag:$0x2], $0x4000, $0x38;
	[tilespmem:$0x1A900] =	vst v63  }
0x2e: {  	_ =	swait.ge [sflag:s15], $0x4000  }
0x2f: {  	[sflag:s15] =	ssyncset.done $0x0  }
0x30: {  	[sflag:s15] =	ssyncadd.s32 $0xFFFFC000  }
0x31: {  	[spmem:s9] =	stream.linear.scatter [tilespmem:s14], [sflag:$0x2], $0x4000, $0x38;
	[tilespmem:$0x1A900] =	vst v63  }
0x32: {  	_ =	swait.ge [sflag:s15], $0x4000  }
0x33: {  	[sflag:s15] =	ssyncset.done $0x0  }
0x34: {  	[sflag:s15] =	ssyncadd.s32 $0xFFFFC000  }
0x35: {  	s30 =	sadd.s32 $0x0, s13;
	[bflag:$0x0] =	sbarrier.arrive $0xFFFF  }
0x36: {  	[tilespmem:s3], [sflag:$0x2] =	stream.linear.gather [hbm4b:s30+s3], $0x50, $0x38;
	[tilespmem:$0x1A900] =	vst v63  }
0x37: {  	_ =	swait.ge [sflag:s15], $0x50  }
0x38: {  	[sflag:s15] =	ssyncset.done $0x0  }
0x39: {  	s31 =	sadd.s32 $0x0, s12;
	[sflag:s15] =	ssyncadd.s32 $0xFFFFFFB0  }
0x3a: {  	[tilespmem:s16], [sflag:$0x2] =	stream.linear.gather [hbm4b:s31+s3], $0x50, $0x38;
	[tilespmem:$0x1A900] =	vst v63  }
0x3b: {  	_ =	swait.ge [sflag:s15], $0x50  }
0x3c: {  	[sflag:s15] =	ssyncset.done $0x0  }
0x3d: {  	[sflag:s15] =	ssyncadd.s32 $0xFFFFFFB0  }
0x3e: {  	[tilespmem:s18], [sflag:$0x1] =	stream.indirect.gather [hbm4b:s4+s17], $0x80, s3, s17, $0xb8;
	[tilespmem:$0x1A900] =	vst v63  }
0x3f: {  	_ =	swait.ge [sflag:s19], $0x2800  }
0x40: {  	[sflag:s19] =	ssyncset.done $0x0  }
0x41: {  	[sflag:s19] =	ssyncadd.s32 $0xFFFFD800  }
0x42: {  	[spmem:s2] =	stream.indirect.scatter.add.f32 [tilespmem:s18], [sflag:$0x2], $0x80, s16, s17, $0xb8;
	[tilespmem:$0x1A900] =	vst v63  }
0x43: {  	_ =	swait.ge [sflag:s15], $0x2800  }
0x44: {  	s23 =	simm.s32 $0xA;
	s24 =	simm.s32 $0x14;
	[sflag:s15] =	ssyncset.done $0x0  }
.LBB2_4:
0x45: {  	s25 =	sadd.s32 s23, s13  }
0x46: {  	[sflag:s15] =	ssyncadd.s32 $0xFFFFD800;
	s26 =	smov.u32 s24;
	s28 =	sadd.s32 $0xA, s24  }
0x47: {  	[tilespmem:s3], [sflag:$0x2] =	stream.linear.gather [hbm4b:s25+s3], $0x50, $0x38;
	[tilespmem:$0x1A900] =	vst v63  }
0x48: {  	p0 =	sne.s32 s24, $0x4D8;
	_ =	swait.ge [sflag:s15], $0x50  }
0x49: {  	[sflag:s15] =	ssyncset.done $0x0  }
0x4a: {  	s24 =	sadd.s32 s23, s12;
	s23 =	smov.u32 s26;
	[sflag:s15] =	ssyncadd.s32 $0xFFFFFFB0  }
0x4b: {  	[tilespmem:s16], [sflag:$0x2] =	stream.linear.gather [hbm4b:s24+s3], $0x50, $0x38;
	[tilespmem:$0x1A900] =	vst v63  }
0x4c: {  	_ =	swait.ge [sflag:s15], $0x50  }
0x4d: {  	[sflag:s15] =	ssyncset.done $0x0  }
0x4e: {  	[sflag:s15] =	ssyncadd.s32 $0xFFFFFFB0  }
0x4f: {  	[tilespmem:s18], [sflag:$0x1] =	stream.indirect.gather [hbm4b:s4+s17], $0x80, s3, s17, $0xb8;
	[tilespmem:$0x1A900] =	vst v63  }
0x50: {  	_ =	swait.ge [sflag:s19], $0x2800  }
.Ltmp1:
0x51: {  	[sflag:s19] =	ssyncset.done $0x0;
	(pc) =	sbr.rel @p0 .LBB2_4-.Ltmp1, $4  }
0x52: {  	[sflag:s19] =	ssyncadd.s32 $0xFFFFD800  }
0x53: {  	[spmem:s2] =	stream.indirect.scatter.add.f32 [tilespmem:s18], [sflag:$0x2], $0x80, s16, s17, $0xb8;
	[tilespmem:$0x1A900] =	vst v63  }
0x54: {  	_ =	swait.ge [sflag:s15], $0x2800  }
0x55: {  	s24 =	smov.u32 s28;
	[sflag:s15] =	ssyncset.done $0x0  }
0x56: {  	s24 =	sadd.s32 s23, s13;
	[sflag:s15] =	ssyncadd.s32 $0xFFFFD800  }
0x57: {  	[tilespmem:s3], [sflag:$0x2] =	stream.linear.gather [hbm4b:s24+s3], $0x50, $0x38;
	[tilespmem:$0x1A900] =	vst v63  }
0x58: {  	_ =	swait.ge [sflag:s15], $0x50  }
0x59: {  	[sflag:s15] =	ssyncset.done $0x0  }
0x5a: {  	s31 =	sadd.s32 s23, s12;
	[sflag:s15] =	ssyncadd.s32 $0xFFFFFFB0  }
0x5b: {  	[tilespmem:s16], [sflag:$0x2] =	stream.linear.gather [hbm4b:s31+s3], $0x50, $0x38;
	[tilespmem:$0x1A900] =	vst v63  }
0x5c: {  	_ =	swait.ge [sflag:s15], $0x50  }
0x5d: {  	[sflag:s15] =	ssyncset.done $0x0  }
0x5e: {  	[sflag:s15] =	ssyncadd.s32 $0xFFFFFFB0  }
0x5f: {  	[tilespmem:s18], [sflag:$0x1] =	stream.indirect.gather [hbm4b:s4+s17], $0x80, s3, s17, $0xb8;
	[tilespmem:$0x1A900] =	vst v63  }
0x60: {  	_ =	swait.ge [sflag:s19], $0x2800  }
0x61: {  	[sflag:s19] =	ssyncset.done $0x0  }
0x62: {  	[sflag:s19] =	ssyncadd.s32 $0xFFFFD800  }
0x63: {  	[spmem:s2] =	stream.indirect.scatter.add.f32 [tilespmem:s18], [sflag:$0x2], $0x80, s16, s17, $0xb8;
	[tilespmem:$0x1A900] =	vst v63  }
0x64: {  	_ =	swait.ge [sflag:s15], $0x2800  }
0x65: {  	s22 =	sadd.s32 $0x1, s22;
	[sflag:s15] =	ssyncset.done $0x0  }
0x66: {  	p0 =	sne.s32 s22, s11;
	[sflag:s15] =	ssyncadd.s32 $0xFFFFD800  }
.Ltmp2:
0x67: {  	[bflag:$0x0] =	sbarrier.arrive $0xFFFF;
	(pc) =	sbr.rel @p0 .LBB2_1-.Ltmp2, $4  }
0x68: {  	[hbm:s10], [sflag:s20] =	dma.local [spmem:s21], $0x2800  }
0x69: {  	_ =	swait.ge [sflag:s15], $0x2800  }
0x6a: {  	[sflag:s15] =	ssyncset.done $0x0  }
0x6b: {  	[sflag:s15] =	ssyncadd.s32 $0xFFFFD800  }
0x6c: {  	_ =	sfence.sel $0x180000  }
0x6d: {  	[bflag:$0x0] =	sbarrier.arrive $0xFFFF  }
0x6e: {  	p0 =	sne.s32 s1, $0x0;
	_ =	strace $0x9000004A  }
0x6f: {  	s0 =	sadd.s32 @!p0 $0x100000, s0;
	[bflag:$0x2] =	sbarrier.arrive $0xFFFF  }
0x70: {  	[sflag:s0] =	ssyncadd.tile.s32 @!p0 $0x1;
	_ =	shalt  }
.Lfunc_end2:
_tile_overlayer_lowered:
.L_overlay_start_2:
0x71: {  	(tag) =	ssettag $0x2  }
0x72: {  	s0 =	rddreg [dreg:$0x0];
	s2 =	stileid.u32  }
0x73: {  	s1 =	rddreg [dreg:$0x1];
	p0 =	sne.s32 s2, $0x0  }
0x74: {  	s3 =	rddreg [dreg:$0x2];
	[bflag:$0x3] =	sbarrier.arrive $0xFFFF;
	s2 =	simm.s32 @!p0 $0x1C02  }
0x75: {  	[timem:s3], [sflag:s2] =	dma.local @!p0 [hbm:s0], s1  }
0x76: {  	s0 =	simm.s32 @!p0 $0x2  }
0x77: {  	_ =	swait.ge @!p0 [sflag:s0], s1  }
0x78: {  	s1 =	ssub.s32 @!p0 $0x0, s1;
	[sflag:s0] =	ssyncset.done @!p0 $0x0  }
0x79: {  	[sflag:s0] =	ssyncadd.s32 @!p0 s1  }
0x7a: {  	[bflag:$0x3] =	sbarrier.arrive $0xFFFF  }
0x7b: {  	_ =	shalt  }

</sc_bundles>
